<compile_context>
chip_gen: v7x
topology: tpu7x:2x2x1
jax: 0.10.2.dev20260603
libtpu: 0.0.44.dev20260713+nightly
codegen_flags: <defaults>
</compile_context>

<pallas_src>
import jax
import jax.numpy as jnp
from jax import lax
from jax.experimental import pallas as pl
from jax.experimental.pallas import tpu as pltpu
from jax.experimental.pallas import tpu_sc as plsc

_NC = 1
_NS = 16
_NW = 13


def _sc_body(i_hbm, p_hbm, inds_hbm, out_hbm, indsv, flatv, rowsv, pv, resv,
             sem, semp):
    w = lax.axis_index("s") * _NC + lax.axis_index("c")

    @pl.when(w < _NW)
    def _():
        iota = lax.iota(jnp.int32, 16)

        @pl.when(w < _NW - 1)
        def _():
            cp_i = pltpu.async_copy(inds_hbm.at[pl.ds(w * 16, 16)],
                                    indsv.at[pl.ds(0, 16)], sem)
            pltpu.async_copy(p_hbm, pv, semp)
            cp_i.wait()

        @pl.when(w == _NW - 1)
        def _():
            cp_i = pltpu.async_copy(inds_hbm.at[pl.ds(192, 8)],
                                    indsv.at[pl.ds(0, 8)], sem)
            pltpu.async_copy(p_hbm, pv, semp)
            cp_i.wait()

        bound = jnp.where(w == _NW - 1, 6, 14)
        ie = jnp.minimum(iota * 2, bound)
        r = plsc.load_gather(indsv, [ie])
        c = plsc.load_gather(indsv, [ie + 1])
        flatv[...] = r * 28 + c
        pltpu.async_copy(i_hbm.at[flatv.at[pl.ds(0, 8)]], rowsv, sem).wait()
        pltpu.make_async_copy(p_hbm, pv, semp).wait()
        res = jnp.zeros((16,), jnp.float32)
        for j in range(8):
            acc = rowsv[j, pl.ds(0, 16)] * pv[pl.ds(0, 16)]
            for cb in range(1, 8):
                acc = acc + rowsv[j, pl.ds(cb * 16, 16)] * pv[pl.ds(cb * 16, 16)]
            res = jnp.where(iota == j, jnp.sum(acc), res)
        resv[...] = res
        pltpu.sync_copy(resv.at[pl.ds(0, 8)], out_hbm.at[pl.ds(w * 8, 8)])


def kernel(I, p, inds):
    out = pl.kernel(
        _sc_body,
        out_type=jax.ShapeDtypeStruct((_NW * 8,), jnp.float32),
        mesh=plsc.VectorSubcoreMesh(
            core_axis_name="c", subcore_axis_name="s",
            num_cores=_NC, num_subcores=_NS),
        compiler_params=pltpu.CompilerParams(needs_layout_passes=False),
        scratch_types=[
            pltpu.VMEM((16,), jnp.int32),
            pltpu.VMEM((16,), jnp.int32),
            pltpu.VMEM((8, 128), jnp.float32),
            pltpu.VMEM((128,), jnp.float32),
            pltpu.VMEM((16,), jnp.float32),
            pltpu.SemaphoreType.DMA,
            pltpu.SemaphoreType.DMA,
        ],
    )(I, p, inds)
    return jnp.reshape(out[:100], (50, 2))

# --- scband reference (transcript-rebuilt; emitter-appended) ---
"""Pipeline reference for scband-cubical-model-ism-norm-46746424049888 (READ-ONLY COPY).

The authoritative reference and input builder live on the scoring server;
editing this copy changes nothing except your own understanding.
"""

import jax, jax.numpy as jnp
import numpy as np

# CubicalModel_ISM_norm: Ip = reshape(tensordot(I, p, 1), [28,28]); indices of the
# persistence pairs come from a non-differentiable gudhi Cubical call wrapped in
# tf.numpy_function + stop_gradient, i.e. they are integer CONSTANTS w.r.t. autodiff.
# We therefore materialize the 2*D*card = 200 pair indices as an int32 input tensor
# ('inds'); the differentiable part (tensordot -> gather_nd -> diagram reshape) is
# translated faithfully.

def setup_inputs(seed: int = 0) -> dict:
    key = jax.random.key(seed)
    k1, k2, k3 = jax.random.split(key, 3)
    I = jax.random.normal(k1, (784, 128), dtype=jnp.float32)
    p = jax.random.normal(k2, (128,), dtype=jnp.float32)
    # flattened (row, col) index pairs produced by the Cubical persistence call;
    # values index into the 28x28 image Ip
    inds = jax.random.randint(k3, (200,), 0, 28).astype(jnp.int32)
    return {"I": I, "p": p, "inds": inds}


def reference(I, p, inds):
    # Ip = tf.reshape(tf.tensordot(I, p, 1), [28, 28])
    Ip = jnp.reshape(jnp.tensordot(I, p, 1), (28, 28))
    # dgm = tf.reshape(tf.gather_nd(Ip, tf.reshape(inds, [-1, D])), [-1, 2]) with D=2
    idx = jnp.reshape(inds, (-1, 2))
    vals = Ip[idx[:, 0], idx[:, 1]]
    dgm = jnp.reshape(vals, (-1, 2))
    return dgm

if __name__ == "__main__":
    import jax
    _d = setup_inputs()
    print(jax.jit(kernel)(*tuple(_d.values())))

</pallas_src>

<mosaic_0001>
#map = affine_map<(d0, d1) -> (0, 0)>
#map1 = affine_map<(d0, d1) -> (0)>
module attributes {stable_mosaic.version = 14 : i64} {
  func.func @_sc_body(%arg0: i32, %arg1: i32, %arg2: memref<784x128xf32, #tpu.memory_space<hbm>>, %arg3: memref<128xf32, #tpu.memory_space<hbm>>, %arg4: memref<200xi32, #tpu.memory_space<hbm>>, %arg5: memref<104xf32, #tpu.memory_space<hbm>>, %arg6: memref<16xi32, #tpu.memory_space<vmem>>, %arg7: memref<16xi32, #tpu.memory_space<vmem>>, %arg8: memref<8x128xf32, #tpu.memory_space<vmem>>, %arg9: memref<128xf32, #tpu.memory_space<vmem>>, %arg10: memref<16xf32, #tpu.memory_space<vmem>>, %arg11: memref<!tpu.dma_semaphore, #tpu.memory_space<semaphore_mem>>, %arg12: memref<!tpu.dma_semaphore, #tpu.memory_space<semaphore_mem>>) attributes {dimension_semantics = [#tpu.dimension_semantics<core_parallel>, #tpu.dimension_semantics<subcore_parallel>], iteration_bounds = array<i64: 1, 16>, scalar_prefetch = 0 : i64, scratch_operands = 7 : i64, tpu.core_type = #tpu.core_type<sc_vector_subcore>, window_params = [{transform_indices = #map}, {transform_indices = #map1}, {transform_indices = #map1}, {transform_indices = #map1}]} {
    %mul3A = arith.constant 1 : i32
    %mul3A_0 = arith.muli %arg1, %mul3A : i32
    %add3A = arith.addi %mul3A_0, %arg0 : i32
    %lt3A = arith.constant 13 : i32
    %lt3A_1 = arith.cmpi slt, %add3A, %lt3A : i32
    %convert_element_type3A = arith.extui %lt3A_1 : i1 to i32
    %cond3A = arith.constant 0 : i32
    %cond3A_2 = arith.cmpi ne, %convert_element_type3A, %cond3A : i32
    scf.if %cond3A_2 {
      %iota3A = tpu.iota {dimensions = array<i32: 0>} : vector<16xi32>
      %lt3A_3 = arith.constant 12 : i32
      %lt3A_4 = arith.cmpi slt, %add3A, %lt3A_3 : i32
      %convert_element_type3A_5 = arith.extui %lt3A_4 : i1 to i32
      %cond3A_6 = arith.constant 0 : i32
      %cond3A_7 = arith.cmpi ne, %convert_element_type3A_5, %cond3A_6 : i32
      scf.if %cond3A_7 {
        %mul3A_615 = arith.constant 16 : i32
        %mul3A_616 = arith.muli %add3A, %mul3A_615 : i32
        %dma_start3A_617 = arith.constant 0 : i32
        %dma_start3A_618 = tpu.memref_slice %arg6[%dma_start3A_617] : memref<16xi32, #tpu.memory_space<vmem>> -> memref<16xi32, #tpu.memory_space<vmem>>
        %dma_start3A_619 = tpu.memref_slice %arg4[%mul3A_616] : memref<200xi32, #tpu.memory_space<hbm>> -> memref<16xi32, #tpu.memory_space<hbm>>
        %dma_start3A_620 = arith.constant 0 : i32
        %dma_start3A_621 = tpu.memref_slice %arg6[%dma_start3A_620] : memref<16xi32, #tpu.memory_space<vmem>> -> memref<16xi32, #tpu.memory_space<vmem>>
        %dma_start3A_622 = tpu.memref_slice %arg4[%mul3A_616] : memref<200xi32, #tpu.memory_space<hbm>> -> memref<16xi32, #tpu.memory_space<hbm>>
        tpu.enqueue_dma source(%dma_start3A_622 : memref<16xi32, #tpu.memory_space<hbm>>) target(%dma_start3A_621 : memref<16xi32, #tpu.memory_space<vmem>>) target_semaphore(%arg11 : memref<!tpu.dma_semaphore, #tpu.memory_space<semaphore_mem>>)
        tpu.enqueue_dma source(%arg3 : memref<128xf32, #tpu.memory_space<hbm>>) target(%arg9 : memref<128xf32, #tpu.memory_space<vmem>>) target_semaphore(%arg12 : memref<!tpu.dma_semaphore, #tpu.memory_space<semaphore_mem>>)
        %dma_wait3A_623 = arith.constant 0 : i32
        %dma_wait3A_624 = tpu.memref_slice %arg6[%dma_wait3A_623] : memref<16xi32, #tpu.memory_space<vmem>> -> memref<16xi32, #tpu.memory_space<vmem>>
        %dma_wait3A_625 = tpu.memref_slice %arg4[%mul3A_616] : memref<200xi32, #tpu.memory_space<hbm>> -> memref<16xi32, #tpu.memory_space<hbm>>
        %dma_wait3A_626 = arith.constant 0 : i32
        %dma_wait3A_627 = tpu.memref_slice %arg6[%dma_wait3A_626] : memref<16xi32, #tpu.memory_space<vmem>> -> memref<16xi32, #tpu.memory_space<vmem>>
        %dma_wait3A_628 = tpu.memref_slice %arg4[%mul3A_616] : memref<200xi32, #tpu.memory_space<hbm>> -> memref<16xi32, #tpu.memory_space<hbm>>
        tpu.wait_dma2 semaphore(%arg11 : memref<!tpu.dma_semaphore, #tpu.memory_space<semaphore_mem>>) src(%dma_wait3A_628 : memref<16xi32, #tpu.memory_space<hbm>>) dst(%dma_wait3A_627 : memref<16xi32, #tpu.memory_space<vmem>>)
      } else {
      }
      %eq3A = arith.constant 12 : i32
      %eq3A_8 = arith.cmpi eq, %add3A, %eq3A : i32
      %convert_element_type3A_9 = arith.extui %eq3A_8 : i1 to i32
      %cond3A_10 = arith.constant 0 : i32
      %cond3A_11 = arith.cmpi ne, %convert_element_type3A_9, %cond3A_10 : i32
      scf.if %cond3A_11 {
        %dma_start3A_615 = arith.constant 0 : i32
        %dma_start3A_616 = tpu.memref_slice %arg6[%dma_start3A_615] : memref<16xi32, #tpu.memory_space<vmem>> -> memref<8xi32, #tpu.memory_space<vmem>>
        %dma_start3A_617 = arith.constant 192 : i32
        %dma_start3A_618 = tpu.memref_slice %arg4[%dma_start3A_617] : memref<200xi32, #tpu.memory_space<hbm>> -> memref<8xi32, #tpu.memory_space<hbm>>
        %dma_start3A_619 = arith.constant 0 : i32
        %dma_start3A_620 = tpu.memref_slice %arg6[%dma_start3A_619] : memref<16xi32, #tpu.memory_space<vmem>> -> memref<8xi32, #tpu.memory_space<vmem>>
        %dma_start3A_621 = arith.constant 192 : i32
        %dma_start3A_622 = tpu.memref_slice %arg4[%dma_start3A_621] : memref<200xi32, #tpu.memory_space<hbm>> -> memref<8xi32, #tpu.memory_space<hbm>>
        tpu.enqueue_dma source(%dma_start3A_622 : memref<8xi32, #tpu.memory_space<hbm>>) target(%dma_start3A_620 : memref<8xi32, #tpu.memory_space<vmem>>) target_semaphore(%arg11 : memref<!tpu.dma_semaphore, #tpu.memory_space<semaphore_mem>>)
        tpu.enqueue_dma source(%arg3 : memref<128xf32, #tpu.memory_space<hbm>>) target(%arg9 : memref<128xf32, #tpu.memory_space<vmem>>) target_semaphore(%arg12 : memref<!tpu.dma_semaphore, #tpu.memory_space<semaphore_mem>>)
        %dma_wait3A_623 = arith.constant 0 : i32
        %dma_wait3A_624 = tpu.memref_slice %arg6[%dma_wait3A_623] : memref<16xi32, #tpu.memory_space<vmem>> -> memref<8xi32, #tpu.memory_space<vmem>>
        %dma_wait3A_625 = arith.constant 192 : i32
        %dma_wait3A_626 = tpu.memref_slice %arg4[%dma_wait3A_625] : memref<200xi32, #tpu.memory_space<hbm>> -> memref<8xi32, #tpu.memory_space<hbm>>
        %dma_wait3A_627 = arith.constant 0 : i32
        %dma_wait3A_628 = tpu.memref_slice %arg6[%dma_wait3A_627] : memref<16xi32, #tpu.memory_space<vmem>> -> memref<8xi32, #tpu.memory_space<vmem>>
        %dma_wait3A_629 = arith.constant 192 : i32
        %dma_wait3A_630 = tpu.memref_slice %arg4[%dma_wait3A_629] : memref<200xi32, #tpu.memory_space<hbm>> -> memref<8xi32, #tpu.memory_space<hbm>>
        tpu.wait_dma2 semaphore(%arg11 : memref<!tpu.dma_semaphore, #tpu.memory_space<semaphore_mem>>) src(%dma_wait3A_630 : memref<8xi32, #tpu.memory_space<hbm>>) dst(%dma_wait3A_628 : memref<8xi32, #tpu.memory_space<vmem>>)
      } else {
      }
      %eq3A_12 = arith.constant 12 : i32
      %eq3A_13 = arith.cmpi eq, %add3A, %eq3A_12 : i32
      %jit3A = arith.constant 6 : i32
      %jit3A_14 = arith.constant 14 : i32
      %select_n3A = arith.select %eq3A_13, %jit3A, %jit3A_14 : i32
      %mul3A_15 = arith.constant 2 : i32
      %mul3A_16 = vector.broadcast %mul3A_15 : i32 to vector<16xi32>
      %mul3A_17 = arith.muli %iota3A, %mul3A_16 : vector<16xi32>
      %min3A = vector.broadcast %select_n3A : i32 to vector<16xi32>
      %min3A_18 = arith.minsi %mul3A_17, %min3A : vector<16xi32>
      %gather3A = tpu.vector_load_idx %arg6[%min3A_18] : memref<16xi32, #tpu.memory_space<vmem>>[vector<16xi32>], vector<16xi32>,
      %add3A_19 = arith.constant 1 : i32
      %add3A_20 = vector.broadcast %add3A_19 : i32 to vector<16xi32>
      %add3A_21 = arith.addi %min3A_18, %add3A_20 : vector<16xi32>
      %gather3A_22 = tpu.vector_load_idx %arg6[%add3A_21] : memref<16xi32, #tpu.memory_space<vmem>>[vector<16xi32>], vector<16xi32>,
      %mul3A_23 = arith.constant 28 : i32
      %mul3A_24 = vector.broadcast %mul3A_23 : i32 to vector<16xi32>
      %mul3A_25 = arith.muli %gather3A, %mul3A_24 : vector<16xi32>
      %add3A_26 = arith.addi %mul3A_25, %gather3A_22 : vector<16xi32>
      %swap3A = arith.constant 0 : index
      %swap3A_27 = tpu.vector_load %arg7[%swap3A] {strides = array<i32>} : memref<16xi32, #tpu.memory_space<vmem>>, vector<16xi32>,
      tpu.vector_store %arg7[%swap3A], %add3A_26 {strides = array<i32>} : memref<16xi32, #tpu.memory_space<vmem>>, vector<16xi32>,
      %dma_start3A = arith.constant 0 : i32
      %dma_start3A_28 = tpu.memref_slice %arg7[%dma_start3A] : memref<16xi32, #tpu.memory_space<vmem>> -> memref<8xi32, #tpu.memory_space<vmem>>
      %dma_start3A_29 = arith.constant 0 : i32
      %dma_start3A_30 = arith.constant 0 : i32
      %dma_start3A_31 = tpu.memref_slice %arg2[%dma_start3A_29, %dma_start3A_30] : memref<784x128xf32, #tpu.memory_space<hbm>> -> memref<784x128xf32, #tpu.memory_space<hbm>>
      tpu.enqueue_indirect_dma source(%dma_start3A_31 : memref<784x128xf32, #tpu.memory_space<hbm>>) target(%arg8 : memref<8x128xf32, #tpu.memory_space<vmem>>) offsets(%dma_start3A_28 : memref<8xi32, #tpu.memory_space<vmem>>) semaphore(%arg11 : memref<!tpu.dma_semaphore, #tpu.memory_space<semaphore_mem>>)
      %dma_wait3A = arith.constant 0 : i32
      %dma_wait3A_32 = tpu.memref_slice %arg7[%dma_wait3A] : memref<16xi32, #tpu.memory_space<vmem>> -> memref<8xi32, #tpu.memory_space<vmem>>
      %dma_wait3A_33 = arith.constant 0 : i32
      %dma_wait3A_34 = arith.constant 0 : i32
      %dma_wait3A_35 = tpu.memref_slice %arg2[%dma_wait3A_33, %dma_wait3A_34] : memref<784x128xf32, #tpu.memory_space<hbm>> -> memref<784x128xf32, #tpu.memory_space<hbm>>
      tpu.wait_indirect_dma semaphore(%arg11 : memref<!tpu.dma_semaphore, #tpu.memory_space<semaphore_mem>>) src(%dma_wait3A_35 : memref<784x128xf32, #tpu.memory_space<hbm>>) dst(%arg8 : memref<8x128xf32, #tpu.memory_space<vmem>>)
      tpu.wait_dma2 semaphore(%arg12 : memref<!tpu.dma_semaphore, #tpu.memory_space<semaphore_mem>>) src(%arg3 : memref<128xf32, #tpu.memory_space<hbm>>) dst(%arg9 : memref<128xf32, #tpu.memory_space<vmem>>)
      %broadcast_in_dim3A = arith.constant 0.000000e+00 : f32
      %broadcast_in_dim3A_36 = vector.broadcast %broadcast_in_dim3A : f32 to vector<16xf32>
      %get3A = arith.constant 0 : i32
      %get3A_37 = arith.index_cast %get3A : i32 to index
      %get3A_38 = arith.constant 0 : index
      %get3A_39 = tpu.vector_load %arg8[%get3A_37, %get3A_38] {strides = array<i32>} : memref<8x128xf32, #tpu.memory_space<vmem>>, vector<16xf32>,
      %get3A_40 = arith.constant 0 : index
      %get3A_41 = tpu.vector_load %arg9[%get3A_40] {strides = array<i32>} : memref<128xf32, #tpu.memory_space<vmem>>, vector<16xf32>,
      %mul3A_42 = arith.mulf %get3A_39, %get3A_41 : vector<16xf32>
      %get3A_43 = arith.constant 0 : i32
      %get3A_44 = arith.index_cast %get3A_43 : i32 to index
      %get3A_45 = arith.constant 16 : index
      %get3A_46 = tpu.vector_load %arg8[%get3A_44, %get3A_45] {strides = array<i32>} : memref<8x128xf32, #tpu.memory_space<vmem>>, vector<16xf32>,
      %get3A_47 = arith.constant 16 : index
      %get3A_48 = tpu.vector_load %arg9[%get3A_47] {strides = array<i32>} : memref<128xf32, #tpu.memory_space<vmem>>, vector<16xf32>,
      %mul3A_49 = arith.mulf %get3A_46, %get3A_48 : vector<16xf32>
      %add3A_50 = arith.addf %mul3A_42, %mul3A_49 : vector<16xf32>
      %get3A_51 = arith.constant 0 : i32
      %get3A_52 = arith.index_cast %get3A_51 : i32 to index
      %get3A_53 = arith.constant 32 : index
      %get3A_54 = tpu.vector_load %arg8[%get3A_52, %get3A_53] {strides = array<i32>} : memref<8x128xf32, #tpu.memory_space<vmem>>, vector<16xf32>,
      %get3A_55 = arith.constant 32 : index
      %get3A_56 = tpu.vector_load %arg9[%get3A_55] {strides = array<i32>} : memref<128xf32, #tpu.memory_space<vmem>>, vector<16xf32>,
      %mul3A_57 = arith.mulf %get3A_54, %get3A_56 : vector<16xf32>
      %add3A_58 = arith.addf %add3A_50, %mul3A_57 : vector<16xf32>
      %get3A_59 = arith.constant 0 : i32
      %get3A_60 = arith.index_cast %get3A_59 : i32 to index
      %get3A_61 = arith.constant 48 : index
      %get3A_62 = tpu.vector_load %arg8[%get3A_60, %get3A_61] {strides = array<i32>} : memref<8x128xf32, #tpu.memory_space<vmem>>, vector<16xf32>,
      %get3A_63 = arith.constant 48 : index
      %get3A_64 = tpu.vector_load %arg9[%get3A_63] {strides = array<i32>} : memref<128xf32, #tpu.memory_space<vmem>>, vector<16xf32>,
      %mul3A_65 = arith.mulf %get3A_62, %get3A_64 : vector<16xf32>
      %add3A_66 = arith.addf %add3A_58, %mul3A_65 : vector<16xf32>
      %get3A_67 = arith.constant 0 : i32
      %get3A_68 = arith.index_cast %get3A_67 : i32 to index
      %get3A_69 = arith.constant 64 : index
      %get3A_70 = tpu.vector_load %arg8[%get3A_68, %get3A_69] {strides = array<i32>} : memref<8x128xf32, #tpu.memory_space<vmem>>, vector<16xf32>,
      %get3A_71 = arith.constant 64 : index
      %get3A_72 = tpu.vector_load %arg9[%get3A_71] {strides = array<i32>} : memref<128xf32, #tpu.memory_space<vmem>>, vector<16xf32>,
      %mul3A_73 = arith.mulf %get3A_70, %get3A_72 : vector<16xf32>
      %add3A_74 = arith.addf %add3A_66, %mul3A_73 : vector<16xf32>
      %get3A_75 = arith.constant 0 : i32
      %get3A_76 = arith.index_cast %get3A_75 : i32 to index
      %get3A_77 = arith.constant 80 : index
      %get3A_78 = tpu.vector_load %arg8[%get3A_76, %get3A_77] {strides = array<i32>} : memref<8x128xf32, #tpu.memory_space<vmem>>, vector<16xf32>,
      %get3A_79 = arith.constant 80 : index
      %get3A_80 = tpu.vector_load %arg9[%get3A_79] {strides = array<i32>} : memref<128xf32, #tpu.memory_space<vmem>>, vector<16xf32>,
      %mul3A_81 = arith.mulf %get3A_78, %get3A_80 : vector<16xf32>
      %add3A_82 = arith.addf %add3A_74, %mul3A_81 : vector<16xf32>
      %get3A_83 = arith.constant 0 : i32
      %get3A_84 = arith.index_cast %get3A_83 : i32 to index
      %get3A_85 = arith.constant 96 : index
      %get3A_86 = tpu.vector_load %arg8[%get3A_84, %get3A_85] {strides = array<i32>} : memref<8x128xf32, #tpu.memory_space<vmem>>, vector<16xf32>,
      %get3A_87 = arith.constant 96 : index
      %get3A_88 = tpu.vector_load %arg9[%get3A_87] {strides = array<i32>} : memref<128xf32, #tpu.memory_space<vmem>>, vector<16xf32>,
      %mul3A_89 = arith.mulf %get3A_86, %get3A_88 : vector<16xf32>
      %add3A_90 = arith.addf %add3A_82, %mul3A_89 : vector<16xf32>
      %get3A_91 = arith.constant 0 : i32
      %get3A_92 = arith.index_cast %get3A_91 : i32 to index
      %get3A_93 = arith.constant 112 : index
      %get3A_94 = tpu.vector_load %arg8[%get3A_92, %get3A_93] {strides = array<i32>} : memref<8x128xf32, #tpu.memory_space<vmem>>, vector<16xf32>,
      %get3A_95 = arith.constant 112 : index
      %get3A_96 = tpu.vector_load %arg9[%get3A_95] {strides = array<i32>} : memref<128xf32, #tpu.memory_space<vmem>>, vector<16xf32>,
      %mul3A_97 = arith.mulf %get3A_94, %get3A_96 : vector<16xf32>
      %add3A_98 = arith.addf %add3A_90, %mul3A_97 : vector<16xf32>
      %eq3A_99 = arith.constant 0 : i32
      %eq3A_100 = vector.broadcast %eq3A_99 : i32 to vector<16xi32>
      %eq3A_101 = arith.cmpi eq, %iota3A, %eq3A_100 : vector<16xi32>
      %reduce_sum3A = arith.constant true
      %reduce_sum3A_102 = vector.broadcast %reduce_sum3A : i1 to vector<16xi1>
      %reduce_sum3A_103 = tpu.scan <sum>, %add3A_98 masked %reduce_sum3A_102 : vector<16xf32>, vector<16xi1> -> vector<16xf32>
      %reduce_sum3A_104 = vector.extract %reduce_sum3A_103[15] : f32 from vector<16xf32>
      %broadcast_in_dim3A_105 = vector.broadcast %reduce_sum3A_104 : f32 to vector<16xf32>
      %select_n3A_106 = arith.select %eq3A_101, %broadcast_in_dim3A_105, %broadcast_in_dim3A_36 : vector<16xi1>, vector<16xf32>
      %get3A_107 = arith.constant 1 : i32
      %get3A_108 = arith.index_cast %get3A_107 : i32 to index
      %get3A_109 = arith.constant 0 : index
      %get3A_110 = tpu.vector_load %arg8[%get3A_108, %get3A_109] {strides = array<i32>} : memref<8x128xf32, #tpu.memory_space<vmem>>, vector<16xf32>,
      %get3A_111 = arith.constant 0 : index
      %get3A_112 = tpu.vector_load %arg9[%get3A_111] {strides = array<i32>} : memref<128xf32, #tpu.memory_space<vmem>>, vector<16xf32>,
      %mul3A_113 = arith.mulf %get3A_110, %get3A_112 : vector<16xf32>
      %get3A_114 = arith.constant 1 : i32
      %get3A_115 = arith.index_cast %get3A_114 : i32 to index
      %get3A_116 = arith.constant 16 : index
      %get3A_117 = tpu.vector_load %arg8[%get3A_115, %get3A_116] {strides = array<i32>} : memref<8x128xf32, #tpu.memory_space<vmem>>, vector<16xf32>,
      %get3A_118 = arith.constant 16 : index
      %get3A_119 = tpu.vector_load %arg9[%get3A_118] {strides = array<i32>} : memref<128xf32, #tpu.memory_space<vmem>>, vector<16xf32>,
      %mul3A_120 = arith.mulf %get3A_117, %get3A_119 : vector<16xf32>
      %add3A_121 = arith.addf %mul3A_113, %mul3A_120 : vector<16xf32>
      %get3A_122 = arith.constant 1 : i32
      %get3A_123 = arith.index_cast %get3A_122 : i32 to index
      %get3A_124 = arith.constant 32 : index
      %get3A_125 = tpu.vector_load %arg8[%get3A_123, %get3A_124] {strides = array<i32>} : memref<8x128xf32, #tpu.memory_space<vmem>>, vector<16xf32>,
      %get3A_126 = arith.constant 32 : index
      %get3A_127 = tpu.vector_load %arg9[%get3A_126] {strides = array<i32>} : memref<128xf32, #tpu.memory_space<vmem>>, vector<16xf32>,
      %mul3A_128 = arith.mulf %get3A_125, %get3A_127 : vector<16xf32>
      %add3A_129 = arith.addf %add3A_121, %mul3A_128 : vector<16xf32>
      %get3A_130 = arith.constant 1 : i32
      %get3A_131 = arith.index_cast %get3A_130 : i32 to index
      %get3A_132 = arith.constant 48 : index
      %get3A_133 = tpu.vector_load %arg8[%get3A_131, %get3A_132] {strides = array<i32>} : memref<8x128xf32, #tpu.memory_space<vmem>>, vector<16xf32>,
      %get3A_134 = arith.constant 48 : index
      %get3A_135 = tpu.vector_load %arg9[%get3A_134] {strides = array<i32>} : memref<128xf32, #tpu.memory_space<vmem>>, vector<16xf32>,
      %mul3A_136 = arith.mulf %get3A_133, %get3A_135 : vector<16xf32>
      %add3A_137 = arith.addf %add3A_129, %mul3A_136 : vector<16xf32>
      %get3A_138 = arith.constant 1 : i32
      %get3A_139 = arith.index_cast %get3A_138 : i32 to index
      %get3A_140 = arith.constant 64 : index
      %get3A_141 = tpu.vector_load %arg8[%get3A_139, %get3A_140] {strides = array<i32>} : memref<8x128xf32, #tpu.memory_space<vmem>>, vector<16xf32>,
      %get3A_142 = arith.constant 64 : index
      %get3A_143 = tpu.vector_load %arg9[%get3A_142] {strides = array<i32>} : memref<128xf32, #tpu.memory_space<vmem>>, vector<16xf32>,
      %mul3A_144 = arith.mulf %get3A_141, %get3A_143 : vector<16xf32>
      %add3A_145 = arith.addf %add3A_137, %mul3A_144 : vector<16xf32>
      %get3A_146 = arith.constant 1 : i32
      %get3A_147 = arith.index_cast %get3A_146 : i32 to index
      %get3A_148 = arith.constant 80 : index
      %get3A_149 = tpu.vector_load %arg8[%get3A_147, %get3A_148] {strides = array<i32>} : memref<8x128xf32, #tpu.memory_space<vmem>>, vector<16xf32>,
      %get3A_150 = arith.constant 80 : index
      %get3A_151 = tpu.vector_load %arg9[%get3A_150] {strides = array<i32>} : memref<128xf32, #tpu.memory_space<vmem>>, vector<16xf32>,
      %mul3A_152 = arith.mulf %get3A_149, %get3A_151 : vector<16xf32>
      %add3A_153 = arith.addf %add3A_145, %mul3A_152 : vector<16xf32>
      %get3A_154 = arith.constant 1 : i32
      %get3A_155 = arith.index_cast %get3A_154 : i32 to index
      %get3A_156 = arith.constant 96 : index
      %get3A_157 = tpu.vector_load %arg8[%get3A_155, %get3A_156] {strides = array<i32>} : memref<8x128xf32, #tpu.memory_space<vmem>>, vector<16xf32>,
      %get3A_158 = arith.constant 96 : index
      %get3A_159 = tpu.vector_load %arg9[%get3A_158] {strides = array<i32>} : memref<128xf32, #tpu.memory_space<vmem>>, vector<16xf32>,
      %mul3A_160 = arith.mulf %get3A_157, %get3A_159 : vector<16xf32>
      %add3A_161 = arith.addf %add3A_153, %mul3A_160 : vector<16xf32>
      %get3A_162 = arith.constant 1 : i32
      %get3A_163 = arith.index_cast %get3A_162 : i32 to index
      %get3A_164 = arith.constant 112 : index
      %get3A_165 = tpu.vector_load %arg8[%get3A_163, %get3A_164] {strides = array<i32>} : memref<8x128xf32, #tpu.memory_space<vmem>>, vector<16xf32>,
      %get3A_166 = arith.constant 112 : index
      %get3A_167 = tpu.vector_load %arg9[%get3A_166] {strides = array<i32>} : memref<128xf32, #tpu.memory_space<vmem>>, vector<16xf32>,
      %mul3A_168 = arith.mulf %get3A_165, %get3A_167 : vector<16xf32>
      %add3A_169 = arith.addf %add3A_161, %mul3A_168 : vector<16xf32>
      %eq3A_170 = arith.constant 1 : i32
      %eq3A_171 = vector.broadcast %eq3A_170 : i32 to vector<16xi32>
      %eq3A_172 = arith.cmpi eq, %iota3A, %eq3A_171 : vector<16xi32>
      %reduce_sum3A_173 = arith.constant true
      %reduce_sum3A_174 = vector.broadcast %reduce_sum3A_173 : i1 to vector<16xi1>
      %reduce_sum3A_175 = tpu.scan <sum>, %add3A_169 masked %reduce_sum3A_174 : vector<16xf32>, vector<16xi1> -> vector<16xf32>
      %reduce_sum3A_176 = vector.extract %reduce_sum3A_175[15] : f32 from vector<16xf32>
      %broadcast_in_dim3A_177 = vector.broadcast %reduce_sum3A_176 : f32 to vector<16xf32>
      %select_n3A_178 = arith.select %eq3A_172, %broadcast_in_dim3A_177, %select_n3A_106 : vector<16xi1>, vector<16xf32>
      %get3A_179 = arith.constant 2 : i32
      %get3A_180 = arith.index_cast %get3A_179 : i32 to index
      %get3A_181 = arith.constant 0 : index
      %get3A_182 = tpu.vector_load %arg8[%get3A_180, %get3A_181] {strides = array<i32>} : memref<8x128xf32, #tpu.memory_space<vmem>>, vector<16xf32>,
      %get3A_183 = arith.constant 0 : index
      %get3A_184 = tpu.vector_load %arg9[%get3A_183] {strides = array<i32>} : memref<128xf32, #tpu.memory_space<vmem>>, vector<16xf32>,
      %mul3A_185 = arith.mulf %get3A_182, %get3A_184 : vector<16xf32>
      %get3A_186 = arith.constant 2 : i32
      %get3A_187 = arith.index_cast %get3A_186 : i32 to index
      %get3A_188 = arith.constant 16 : index
      %get3A_189 = tpu.vector_load %arg8[%get3A_187, %get3A_188] {strides = array<i32>} : memref<8x128xf32, #tpu.memory_space<vmem>>, vector<16xf32>,
      %get3A_190 = arith.constant 16 : index
      %get3A_191 = tpu.vector_load %arg9[%get3A_190] {strides = array<i32>} : memref<128xf32, #tpu.memory_space<vmem>>, vector<16xf32>,
      %mul3A_192 = arith.mulf %get3A_189, %get3A_191 : vector<16xf32>
      %add3A_193 = arith.addf %mul3A_185, %mul3A_192 : vector<16xf32>
      %get3A_194 = arith.constant 2 : i32
      %get3A_195 = arith.index_cast %get3A_194 : i32 to index
      %get3A_196 = arith.constant 32 : index
      %get3A_197 = tpu.vector_load %arg8[%get3A_195, %get3A_196] {strides = array<i32>} : memref<8x128xf32, #tpu.memory_space<vmem>>, vector<16xf32>,
      %get3A_198 = arith.constant 32 : index
      %get3A_199 = tpu.vector_load %arg9[%get3A_198] {strides = array<i32>} : memref<128xf32, #tpu.memory_space<vmem>>, vector<16xf32>,
      %mul3A_200 = arith.mulf %get3A_197, %get3A_199 : vector<16xf32>
      %add3A_201 = arith.addf %add3A_193, %mul3A_200 : vector<16xf32>
      %get3A_202 = arith.constant 2 : i32
      %get3A_203 = arith.index_cast %get3A_202 : i32 to index
      %get3A_204 = arith.constant 48 : index
      %get3A_205 = tpu.vector_load %arg8[%get3A_203, %get3A_204] {strides = array<i32>} : memref<8x128xf32, #tpu.memory_space<vmem>>, vector<16xf32>,
      %get3A_206 = arith.constant 48 : index
      %get3A_207 = tpu.vector_load %arg9[%get3A_206] {strides = array<i32>} : memref<128xf32, #tpu.memory_space<vmem>>, vector<16xf32>,
      %mul3A_208 = arith.mulf %get3A_205, %get3A_207 : vector<16xf32>
      %add3A_209 = arith.addf %add3A_201, %mul3A_208 : vector<16xf32>
      %get3A_210 = arith.constant 2 : i32
      %get3A_211 = arith.index_cast %get3A_210 : i32 to index
      %get3A_212 = arith.constant 64 : index
      %get3A_213 = tpu.vector_load %arg8[%get3A_211, %get3A_212] {strides = array<i32>} : memref<8x128xf32, #tpu.memory_space<vmem>>, vector<16xf32>,
      %get3A_214 = arith.constant 64 : index
      %get3A_215 = tpu.vector_load %arg9[%get3A_214] {strides = array<i32>} : memref<128xf32, #tpu.memory_space<vmem>>, vector<16xf32>,
      %mul3A_216 = arith.mulf %get3A_213, %get3A_215 : vector<16xf32>
      %add3A_217 = arith.addf %add3A_209, %mul3A_216 : vector<16xf32>
      %get3A_218 = arith.constant 2 : i32
      %get3A_219 = arith.index_cast %get3A_218 : i32 to index
      %get3A_220 = arith.constant 80 : index
      %get3A_221 = tpu.vector_load %arg8[%get3A_219, %get3A_220] {strides = array<i32>} : memref<8x128xf32, #tpu.memory_space<vmem>>, vector<16xf32>,
      %get3A_222 = arith.constant 80 : index
      %get3A_223 = tpu.vector_load %arg9[%get3A_222] {strides = array<i32>} : memref<128xf32, #tpu.memory_space<vmem>>, vector<16xf32>,
      %mul3A_224 = arith.mulf %get3A_221, %get3A_223 : vector<16xf32>
      %add3A_225 = arith.addf %add3A_217, %mul3A_224 : vector<16xf32>
      %get3A_226 = arith.constant 2 : i32
      %get3A_227 = arith.index_cast %get3A_226 : i32 to index
      %get3A_228 = arith.constant 96 : index
      %get3A_229 = tpu.vector_load %arg8[%get3A_227, %get3A_228] {strides = array<i32>} : memref<8x128xf32, #tpu.memory_space<vmem>>, vector<16xf32>,
      %get3A_230 = arith.constant 96 : index
      %get3A_231 = tpu.vector_load %arg9[%get3A_230] {strides = array<i32>} : memref<128xf32, #tpu.memory_space<vmem>>, vector<16xf32>,
      %mul3A_232 = arith.mulf %get3A_229, %get3A_231 : vector<16xf32>
      %add3A_233 = arith.addf %add3A_225, %mul3A_232 : vector<16xf32>
      %get3A_234 = arith.constant 2 : i32
      %get3A_235 = arith.index_cast %get3A_234 : i32 to index
      %get3A_236 = arith.constant 112 : index
      %get3A_237 = tpu.vector_load %arg8[%get3A_235, %get3A_236] {strides = array<i32>} : memref<8x128xf32, #tpu.memory_space<vmem>>, vector<16xf32>,
      %get3A_238 = arith.constant 112 : index
      %get3A_239 = tpu.vector_load %arg9[%get3A_238] {strides = array<i32>} : memref<128xf32, #tpu.memory_space<vmem>>, vector<16xf32>,
      %mul3A_240 = arith.mulf %get3A_237, %get3A_239 : vector<16xf32>
      %add3A_241 = arith.addf %add3A_233, %mul3A_240 : vector<16xf32>
      %eq3A_242 = arith.constant 2 : i32
      %eq3A_243 = vector.broadcast %eq3A_242 : i32 to vector<16xi32>
      %eq3A_244 = arith.cmpi eq, %iota3A, %eq3A_243 : vector<16xi32>
      %reduce_sum3A_245 = arith.constant true
      %reduce_sum3A_246 = vector.broadcast %reduce_sum3A_245 : i1 to vector<16xi1>
      %reduce_sum3A_247 = tpu.scan <sum>, %add3A_241 masked %reduce_sum3A_246 : vector<16xf32>, vector<16xi1> -> vector<16xf32>
      %reduce_sum3A_248 = vector.extract %reduce_sum3A_247[15] : f32 from vector<16xf32>
      %broadcast_in_dim3A_249 = vector.broadcast %reduce_sum3A_248 : f32 to vector<16xf32>
      %select_n3A_250 = arith.select %eq3A_244, %broadcast_in_dim3A_249, %select_n3A_178 : vector<16xi1>, vector<16xf32>
      %get3A_251 = arith.constant 3 : i32
      %get3A_252 = arith.index_cast %get3A_251 : i32 to index
      %get3A_253 = arith.constant 0 : index
      %get3A_254 = tpu.vector_load %arg8[%get3A_252, %get3A_253] {strides = array<i32>} : memref<8x128xf32, #tpu.memory_space<vmem>>, vector<16xf32>,
      %get3A_255 = arith.constant 0 : index
      %get3A_256 = tpu.vector_load %arg9[%get3A_255] {strides = array<i32>} : memref<128xf32, #tpu.memory_space<vmem>>, vector<16xf32>,
      %mul3A_257 = arith.mulf %get3A_254, %get3A_256 : vector<16xf32>
      %get3A_258 = arith.constant 3 : i32
      %get3A_259 = arith.index_cast %get3A_258 : i32 to index
      %get3A_260 = arith.constant 16 : index
      %get3A_261 = tpu.vector_load %arg8[%get3A_259, %get3A_260] {strides = array<i32>} : memref<8x128xf32, #tpu.memory_space<vmem>>, vector<16xf32>,
      %get3A_262 = arith.constant 16 : index
      %get3A_263 = tpu.vector_load %arg9[%get3A_262] {strides = array<i32>} : memref<128xf32, #tpu.memory_space<vmem>>, vector<16xf32>,
      %mul3A_264 = arith.mulf %get3A_261, %get3A_263 : vector<16xf32>
      %add3A_265 = arith.addf %mul3A_257, %mul3A_264 : vector<16xf32>
      %get3A_266 = arith.constant 3 : i32
      %get3A_267 = arith.index_cast %get3A_266 : i32 to index
      %get3A_268 = arith.constant 32 : index
      %get3A_269 = tpu.vector_load %arg8[%get3A_267, %get3A_268] {strides = array<i32>} : memref<8x128xf32, #tpu.memory_space<vmem>>, vector<16xf32>,
      %get3A_270 = arith.constant 32 : index
      %get3A_271 = tpu.vector_load %arg9[%get3A_270] {strides = array<i32>} : memref<128xf32, #tpu.memory_space<vmem>>, vector<16xf32>,
      %mul3A_272 = arith.mulf %get3A_269, %get3A_271 : vector<16xf32>
      %add3A_273 = arith.addf %add3A_265, %mul3A_272 : vector<16xf32>
      %get3A_274 = arith.constant 3 : i32
      %get3A_275 = arith.index_cast %get3A_274 : i32 to index
      %get3A_276 = arith.constant 48 : index
      %get3A_277 = tpu.vector_load %arg8[%get3A_275, %get3A_276] {strides = array<i32>} : memref<8x128xf32, #tpu.memory_space<vmem>>, vector<16xf32>,
      %get3A_278 = arith.constant 48 : index
      %get3A_279 = tpu.vector_load %arg9[%get3A_278] {strides = array<i32>} : memref<128xf32, #tpu.memory_space<vmem>>, vector<16xf32>,
      %mul3A_280 = arith.mulf %get3A_277, %get3A_279 : vector<16xf32>
      %add3A_281 = arith.addf %add3A_273, %mul3A_280 : vector<16xf32>
      %get3A_282 = arith.constant 3 : i32
      %get3A_283 = arith.index_cast %get3A_282 : i32 to index
      %get3A_284 = arith.constant 64 : index
      %get3A_285 = tpu.vector_load %arg8[%get3A_283, %get3A_284] {strides = array<i32>} : memref<8x128xf32, #tpu.memory_space<vmem>>, vector<16xf32>,
      %get3A_286 = arith.constant 64 : index
      %get3A_287 = tpu.vector_load %arg9[%get3A_286] {strides = array<i32>} : memref<128xf32, #tpu.memory_space<vmem>>, vector<16xf32>,
      %mul3A_288 = arith.mulf %get3A_285, %get3A_287 : vector<16xf32>
      %add3A_289 = arith.addf %add3A_281, %mul3A_288 : vector<16xf32>
      %get3A_290 = arith.constant 3 : i32
      %get3A_291 = arith.index_cast %get3A_290 : i32 to index
      %get3A_292 = arith.constant 80 : index
      %get3A_293 = tpu.vector_load %arg8[%get3A_291, %get3A_292] {strides = array<i32>} : memref<8x128xf32, #tpu.memory_space<vmem>>, vector<16xf32>,
      %get3A_294 = arith.constant 80 : index
      %get3A_295 = tpu.vector_load %arg9[%get3A_294] {strides = array<i32>} : memref<128xf32, #tpu.memory_space<vmem>>, vector<16xf32>,
      %mul3A_296 = arith.mulf %get3A_293, %get3A_295 : vector<16xf32>
      %add3A_297 = arith.addf %add3A_289, %mul3A_296 : vector<16xf32>
      %get3A_298 = arith.constant 3 : i32
      %get3A_299 = arith.index_cast %get3A_298 : i32 to index
      %get3A_300 = arith.constant 96 : index
      %get3A_301 = tpu.vector_load %arg8[%get3A_299, %get3A_300] {strides = array<i32>} : memref<8x128xf32, #tpu.memory_space<vmem>>, vector<16xf32>,
      %get3A_302 = arith.constant 96 : index
      %get3A_303 = tpu.vector_load %arg9[%get3A_302] {strides = array<i32>} : memref<128xf32, #tpu.memory_space<vmem>>, vector<16xf32>,
      %mul3A_304 = arith.mulf %get3A_301, %get3A_303 : vector<16xf32>
      %add3A_305 = arith.addf %add3A_297, %mul3A_304 : vector<16xf32>
      %get3A_306 = arith.constant 3 : i32
      %get3A_307 = arith.index_cast %get3A_306 : i32 to index
      %get3A_308 = arith.constant 112 : index
      %get3A_309 = tpu.vector_load %arg8[%get3A_307, %get3A_308] {strides = array<i32>} : memref<8x128xf32, #tpu.memory_space<vmem>>, vector<16xf32>,
      %get3A_310 = arith.constant 112 : index
      %get3A_311 = tpu.vector_load %arg9[%get3A_310] {strides = array<i32>} : memref<128xf32, #tpu.memory_space<vmem>>, vector<16xf32>,
      %mul3A_312 = arith.mulf %get3A_309, %get3A_311 : vector<16xf32>
      %add3A_313 = arith.addf %add3A_305, %mul3A_312 : vector<16xf32>
      %eq3A_314 = arith.constant 3 : i32
      %eq3A_315 = vector.broadcast %eq3A_314 : i32 to vector<16xi32>
      %eq3A_316 = arith.cmpi eq, %iota3A, %eq3A_315 : vector<16xi32>
      %reduce_sum3A_317 = arith.constant true
      %reduce_sum3A_318 = vector.broadcast %reduce_sum3A_317 : i1 to vector<16xi1>
      %reduce_sum3A_319 = tpu.scan <sum>, %add3A_313 masked %reduce_sum3A_318 : vector<16xf32>, vector<16xi1> -> vector<16xf32>
      %reduce_sum3A_320 = vector.extract %reduce_sum3A_319[15] : f32 from vector<16xf32>
      %broadcast_in_dim3A_321 = vector.broadcast %reduce_sum3A_320 : f32 to vector<16xf32>
      %select_n3A_322 = arith.select %eq3A_316, %broadcast_in_dim3A_321, %select_n3A_250 : vector<16xi1>, vector<16xf32>
      %get3A_323 = arith.constant 4 : i32
      %get3A_324 = arith.index_cast %get3A_323 : i32 to index
      %get3A_325 = arith.constant 0 : index
      %get3A_326 = tpu.vector_load %arg8[%get3A_324, %get3A_325] {strides = array<i32>} : memref<8x128xf32, #tpu.memory_space<vmem>>, vector<16xf32>,
      %get3A_327 = arith.constant 0 : index
      %get3A_328 = tpu.vector_load %arg9[%get3A_327] {strides = array<i32>} : memref<128xf32, #tpu.memory_space<vmem>>, vector<16xf32>,
      %mul3A_329 = arith.mulf %get3A_326, %get3A_328 : vector<16xf32>
      %get3A_330 = arith.constant 4 : i32
      %get3A_331 = arith.index_cast %get3A_330 : i32 to index
      %get3A_332 = arith.constant 16 : index
      %get3A_333 = tpu.vector_load %arg8[%get3A_331, %get3A_332] {strides = array<i32>} : memref<8x128xf32, #tpu.memory_space<vmem>>, vector<16xf32>,
      %get3A_334 = arith.constant 16 : index
      %get3A_335 = tpu.vector_load %arg9[%get3A_334] {strides = array<i32>} : memref<128xf32, #tpu.memory_space<vmem>>, vector<16xf32>,
      %mul3A_336 = arith.mulf %get3A_333, %get3A_335 : vector<16xf32>
      %add3A_337 = arith.addf %mul3A_329, %mul3A_336 : vector<16xf32>
      %get3A_338 = arith.constant 4 : i32
      %get3A_339 = arith.index_cast %get3A_338 : i32 to index
      %get3A_340 = arith.constant 32 : index
      %get3A_341 = tpu.vector_load %arg8[%get3A_339, %get3A_340] {strides = array<i32>} : memref<8x128xf32, #tpu.memory_space<vmem>>, vector<16xf32>,
      %get3A_342 = arith.constant 32 : index
      %get3A_343 = tpu.vector_load %arg9[%get3A_342] {strides = array<i32>} : memref<128xf32, #tpu.memory_space<vmem>>, vector<16xf32>,
      %mul3A_344 = arith.mulf %get3A_341, %get3A_343 : vector<16xf32>
      %add3A_345 = arith.addf %add3A_337, %mul3A_344 : vector<16xf32>
      %get3A_346 = arith.constant 4 : i32
      %get3A_347 = arith.index_cast %get3A_346 : i32 to index
      %get3A_348 = arith.constant 48 : index
      %get3A_349 = tpu.vector_load %arg8[%get3A_347, %get3A_348] {strides = array<i32>} : memref<8x128xf32, #tpu.memory_space<vmem>>, vector<16xf32>,
      %get3A_350 = arith.constant 48 : index
      %get3A_351 = tpu.vector_load %arg9[%get3A_350] {strides = array<i32>} : memref<128xf32, #tpu.memory_space<vmem>>, vector<16xf32>,
      %mul3A_352 = arith.mulf %get3A_349, %get3A_351 : vector<16xf32>
      %add3A_353 = arith.addf %add3A_345, %mul3A_352 : vector<16xf32>
      %get3A_354 = arith.constant 4 : i32
      %get3A_355 = arith.index_cast %get3A_354 : i32 to index
      %get3A_356 = arith.constant 64 : index
      %get3A_357 = tpu.vector_load %arg8[%get3A_355, %get3A_356] {strides = array<i32>} : memref<8x128xf32, #tpu.memory_space<vmem>>, vector<16xf32>,
      %get3A_358 = arith.constant 64 : index
      %get3A_359 = tpu.vector_load %arg9[%get3A_358] {strides = array<i32>} : memref<128xf32, #tpu.memory_space<vmem>>, vector<16xf32>,
      %mul3A_360 = arith.mulf %get3A_357, %get3A_359 : vector<16xf32>
      %add3A_361 = arith.addf %add3A_353, %mul3A_360 : vector<16xf32>
      %get3A_362 = arith.constant 4 : i32
      %get3A_363 = arith.index_cast %get3A_362 : i32 to index
      %get3A_364 = arith.constant 80 : index
      %get3A_365 = tpu.vector_load %arg8[%get3A_363, %get3A_364] {strides = array<i32>} : memref<8x128xf32, #tpu.memory_space<vmem>>, vector<16xf32>,
      %get3A_366 = arith.constant 80 : index
      %get3A_367 = tpu.vector_load %arg9[%get3A_366] {strides = array<i32>} : memref<128xf32, #tpu.memory_space<vmem>>, vector<16xf32>,
      %mul3A_368 = arith.mulf %get3A_365, %get3A_367 : vector<16xf32>
      %add3A_369 = arith.addf %add3A_361, %mul3A_368 : vector<16xf32>
      %get3A_370 = arith.constant 4 : i32
      %get3A_371 = arith.index_cast %get3A_370 : i32 to index
      %get3A_372 = arith.constant 96 : index
      %get3A_373 = tpu.vector_load %arg8[%get3A_371, %get3A_372] {strides = array<i32>} : memref<8x128xf32, #tpu.memory_space<vmem>>, vector<16xf32>,
      %get3A_374 = arith.constant 96 : index
      %get3A_375 = tpu.vector_load %arg9[%get3A_374] {strides = array<i32>} : memref<128xf32, #tpu.memory_space<vmem>>, vector<16xf32>,
      %mul3A_376 = arith.mulf %get3A_373, %get3A_375 : vector<16xf32>
      %add3A_377 = arith.addf %add3A_369, %mul3A_376 : vector<16xf32>
      %get3A_378 = arith.constant 4 : i32
      %get3A_379 = arith.index_cast %get3A_378 : i32 to index
      %get3A_380 = arith.constant 112 : index
      %get3A_381 = tpu.vector_load %arg8[%get3A_379, %get3A_380] {strides = array<i32>} : memref<8x128xf32, #tpu.memory_space<vmem>>, vector<16xf32>,
      %get3A_382 = arith.constant 112 : index
      %get3A_383 = tpu.vector_load %arg9[%get3A_382] {strides = array<i32>} : memref<128xf32, #tpu.memory_space<vmem>>, vector<16xf32>,
      %mul3A_384 = arith.mulf %get3A_381, %get3A_383 : vector<16xf32>
      %add3A_385 = arith.addf %add3A_377, %mul3A_384 : vector<16xf32>
      %eq3A_386 = arith.constant 4 : i32
      %eq3A_387 = vector.broadcast %eq3A_386 : i32 to vector<16xi32>
      %eq3A_388 = arith.cmpi eq, %iota3A, %eq3A_387 : vector<16xi32>
      %reduce_sum3A_389 = arith.constant true
      %reduce_sum3A_390 = vector.broadcast %reduce_sum3A_389 : i1 to vector<16xi1>
      %reduce_sum3A_391 = tpu.scan <sum>, %add3A_385 masked %reduce_sum3A_390 : vector<16xf32>, vector<16xi1> -> vector<16xf32>
      %reduce_sum3A_392 = vector.extract %reduce_sum3A_391[15] : f32 from vector<16xf32>
      %broadcast_in_dim3A_393 = vector.broadcast %reduce_sum3A_392 : f32 to vector<16xf32>
      %select_n3A_394 = arith.select %eq3A_388, %broadcast_in_dim3A_393, %select_n3A_322 : vector<16xi1>, vector<16xf32>
      %get3A_395 = arith.constant 5 : i32
      %get3A_396 = arith.index_cast %get3A_395 : i32 to index
      %get3A_397 = arith.constant 0 : index
      %get3A_398 = tpu.vector_load %arg8[%get3A_396, %get3A_397] {strides = array<i32>} : memref<8x128xf32, #tpu.memory_space<vmem>>, vector<16xf32>,
      %get3A_399 = arith.constant 0 : index
      %get3A_400 = tpu.vector_load %arg9[%get3A_399] {strides = array<i32>} : memref<128xf32, #tpu.memory_space<vmem>>, vector<16xf32>,
      %mul3A_401 = arith.mulf %get3A_398, %get3A_400 : vector<16xf32>
      %get3A_402 = arith.constant 5 : i32
      %get3A_403 = arith.index_cast %get3A_402 : i32 to index
      %get3A_404 = arith.constant 16 : index
      %get3A_405 = tpu.vector_load %arg8[%get3A_403, %get3A_404] {strides = array<i32>} : memref<8x128xf32, #tpu.memory_space<vmem>>, vector<16xf32>,
      %get3A_406 = arith.constant 16 : index
      %get3A_407 = tpu.vector_load %arg9[%get3A_406] {strides = array<i32>} : memref<128xf32, #tpu.memory_space<vmem>>, vector<16xf32>,
      %mul3A_408 = arith.mulf %get3A_405, %get3A_407 : vector<16xf32>
      %add3A_409 = arith.addf %mul3A_401, %mul3A_408 : vector<16xf32>
      %get3A_410 = arith.constant 5 : i32
      %get3A_411 = arith.index_cast %get3A_410 : i32 to index
      %get3A_412 = arith.constant 32 : index
      %get3A_413 = tpu.vector_load %arg8[%get3A_411, %get3A_412] {strides = array<i32>} : memref<8x128xf32, #tpu.memory_space<vmem>>, vector<16xf32>,
      %get3A_414 = arith.constant 32 : index
      %get3A_415 = tpu.vector_load %arg9[%get3A_414] {strides = array<i32>} : memref<128xf32, #tpu.memory_space<vmem>>, vector<16xf32>,
      %mul3A_416 = arith.mulf %get3A_413, %get3A_415 : vector<16xf32>
      %add3A_417 = arith.addf %add3A_409, %mul3A_416 : vector<16xf32>
      %get3A_418 = arith.constant 5 : i32
      %get3A_419 = arith.index_cast %get3A_418 : i32 to index
      %get3A_420 = arith.constant 48 : index
      %get3A_421 = tpu.vector_load %arg8[%get3A_419, %get3A_420] {strides = array<i32>} : memref<8x128xf32, #tpu.memory_space<vmem>>, vector<16xf32>,
      %get3A_422 = arith.constant 48 : index
      %get3A_423 = tpu.vector_load %arg9[%get3A_422] {strides = array<i32>} : memref<128xf32, #tpu.memory_space<vmem>>, vector<16xf32>,
      %mul3A_424 = arith.mulf %get3A_421, %get3A_423 : vector<16xf32>
      %add3A_425 = arith.addf %add3A_417, %mul3A_424 : vector<16xf32>
      %get3A_426 = arith.constant 5 : i32
      %get3A_427 = arith.index_cast %get3A_426 : i32 to index
      %get3A_428 = arith.constant 64 : index
      %get3A_429 = tpu.vector_load %arg8[%get3A_427, %get3A_428] {strides = array<i32>} : memref<8x128xf32, #tpu.memory_space<vmem>>, vector<16xf32>,
      %get3A_430 = arith.constant 64 : index
      %get3A_431 = tpu.vector_load %arg9[%get3A_430] {strides = array<i32>} : memref<128xf32, #tpu.memory_space<vmem>>, vector<16xf32>,
      %mul3A_432 = arith.mulf %get3A_429, %get3A_431 : vector<16xf32>
      %add3A_433 = arith.addf %add3A_425, %mul3A_432 : vector<16xf32>
      %get3A_434 = arith.constant 5 : i32
      %get3A_435 = arith.index_cast %get3A_434 : i32 to index
      %get3A_436 = arith.constant 80 : index
      %get3A_437 = tpu.vector_load %arg8[%get3A_435, %get3A_436] {strides = array<i32>} : memref<8x128xf32, #tpu.memory_space<vmem>>, vector<16xf32>,
      %get3A_438 = arith.constant 80 : index
      %get3A_439 = tpu.vector_load %arg9[%get3A_438] {strides = array<i32>} : memref<128xf32, #tpu.memory_space<vmem>>, vector<16xf32>,
      %mul3A_440 = arith.mulf %get3A_437, %get3A_439 : vector<16xf32>
      %add3A_441 = arith.addf %add3A_433, %mul3A_440 : vector<16xf32>
      %get3A_442 = arith.constant 5 : i32
      %get3A_443 = arith.index_cast %get3A_442 : i32 to index
      %get3A_444 = arith.constant 96 : index
      %get3A_445 = tpu.vector_load %arg8[%get3A_443, %get3A_444] {strides = array<i32>} : memref<8x128xf32, #tpu.memory_space<vmem>>, vector<16xf32>,
      %get3A_446 = arith.constant 96 : index
      %get3A_447 = tpu.vector_load %arg9[%get3A_446] {strides = array<i32>} : memref<128xf32, #tpu.memory_space<vmem>>, vector<16xf32>,
      %mul3A_448 = arith.mulf %get3A_445, %get3A_447 : vector<16xf32>
      %add3A_449 = arith.addf %add3A_441, %mul3A_448 : vector<16xf32>
      %get3A_450 = arith.constant 5 : i32
      %get3A_451 = arith.index_cast %get3A_450 : i32 to index
      %get3A_452 = arith.constant 112 : index
      %get3A_453 = tpu.vector_load %arg8[%get3A_451, %get3A_452] {strides = array<i32>} : memref<8x128xf32, #tpu.memory_space<vmem>>, vector<16xf32>,
      %get3A_454 = arith.constant 112 : index
      %get3A_455 = tpu.vector_load %arg9[%get3A_454] {strides = array<i32>} : memref<128xf32, #tpu.memory_space<vmem>>, vector<16xf32>,
      %mul3A_456 = arith.mulf %get3A_453, %get3A_455 : vector<16xf32>
      %add3A_457 = arith.addf %add3A_449, %mul3A_456 : vector<16xf32>
      %eq3A_458 = arith.constant 5 : i32
      %eq3A_459 = vector.broadcast %eq3A_458 : i32 to vector<16xi32>
      %eq3A_460 = arith.cmpi eq, %iota3A, %eq3A_459 : vector<16xi32>
      %reduce_sum3A_461 = arith.constant true
      %reduce_sum3A_462 = vector.broadcast %reduce_sum3A_461 : i1 to vector<16xi1>
      %reduce_sum3A_463 = tpu.scan <sum>, %add3A_457 masked %reduce_sum3A_462 : vector<16xf32>, vector<16xi1> -> vector<16xf32>
      %reduce_sum3A_464 = vector.extract %reduce_sum3A_463[15] : f32 from vector<16xf32>
      %broadcast_in_dim3A_465 = vector.broadcast %reduce_sum3A_464 : f32 to vector<16xf32>
      %select_n3A_466 = arith.select %eq3A_460, %broadcast_in_dim3A_465, %select_n3A_394 : vector<16xi1>, vector<16xf32>
      %get3A_467 = arith.constant 6 : i32
      %get3A_468 = arith.index_cast %get3A_467 : i32 to index
      %get3A_469 = arith.constant 0 : index
      %get3A_470 = tpu.vector_load %arg8[%get3A_468, %get3A_469] {strides = array<i32>} : memref<8x128xf32, #tpu.memory_space<vmem>>, vector<16xf32>,
      %get3A_471 = arith.constant 0 : index
      %get3A_472 = tpu.vector_load %arg9[%get3A_471] {strides = array<i32>} : memref<128xf32, #tpu.memory_space<vmem>>, vector<16xf32>,
      %mul3A_473 = arith.mulf %get3A_470, %get3A_472 : vector<16xf32>
      %get3A_474 = arith.constant 6 : i32
      %get3A_475 = arith.index_cast %get3A_474 : i32 to index
      %get3A_476 = arith.constant 16 : index
      %get3A_477 = tpu.vector_load %arg8[%get3A_475, %get3A_476] {strides = array<i32>} : memref<8x128xf32, #tpu.memory_space<vmem>>, vector<16xf32>,
      %get3A_478 = arith.constant 16 : index
      %get3A_479 = tpu.vector_load %arg9[%get3A_478] {strides = array<i32>} : memref<128xf32, #tpu.memory_space<vmem>>, vector<16xf32>,
      %mul3A_480 = arith.mulf %get3A_477, %get3A_479 : vector<16xf32>
      %add3A_481 = arith.addf %mul3A_473, %mul3A_480 : vector<16xf32>
      %get3A_482 = arith.constant 6 : i32
      %get3A_483 = arith.index_cast %get3A_482 : i32 to index
      %get3A_484 = arith.constant 32 : index
      %get3A_485 = tpu.vector_load %arg8[%get3A_483, %get3A_484] {strides = array<i32>} : memref<8x128xf32, #tpu.memory_space<vmem>>, vector<16xf32>,
      %get3A_486 = arith.constant 32 : index
      %get3A_487 = tpu.vector_load %arg9[%get3A_486] {strides = array<i32>} : memref<128xf32, #tpu.memory_space<vmem>>, vector<16xf32>,
      %mul3A_488 = arith.mulf %get3A_485, %get3A_487 : vector<16xf32>
      %add3A_489 = arith.addf %add3A_481, %mul3A_488 : vector<16xf32>
      %get3A_490 = arith.constant 6 : i32
      %get3A_491 = arith.index_cast %get3A_490 : i32 to index
      %get3A_492 = arith.constant 48 : index
      %get3A_493 = tpu.vector_load %arg8[%get3A_491, %get3A_492] {strides = array<i32>} : memref<8x128xf32, #tpu.memory_space<vmem>>, vector<16xf32>,
      %get3A_494 = arith.constant 48 : index
      %get3A_495 = tpu.vector_load %arg9[%get3A_494] {strides = array<i32>} : memref<128xf32, #tpu.memory_space<vmem>>, vector<16xf32>,
      %mul3A_496 = arith.mulf %get3A_493, %get3A_495 : vector<16xf32>
      %add3A_497 = arith.addf %add3A_489, %mul3A_496 : vector<16xf32>
      %get3A_498 = arith.constant 6 : i32
      %get3A_499 = arith.index_cast %get3A_498 : i32 to index
      %get3A_500 = arith.constant 64 : index
      %get3A_501 = tpu.vector_load %arg8[%get3A_499, %get3A_500] {strides = array<i32>} : memref<8x128xf32, #tpu.memory_space<vmem>>, vector<16xf32>,
      %get3A_502 = arith.constant 64 : index
      %get3A_503 = tpu.vector_load %arg9[%get3A_502] {strides = array<i32>} : memref<128xf32, #tpu.memory_space<vmem>>, vector<16xf32>,
      %mul3A_504 = arith.mulf %get3A_501, %get3A_503 : vector<16xf32>
      %add3A_505 = arith.addf %add3A_497, %mul3A_504 : vector<16xf32>
      %get3A_506 = arith.constant 6 : i32
      %get3A_507 = arith.index_cast %get3A_506 : i32 to index
      %get3A_508 = arith.constant 80 : index
      %get3A_509 = tpu.vector_load %arg8[%get3A_507, %get3A_508] {strides = array<i32>} : memref<8x128xf32, #tpu.memory_space<vmem>>, vector<16xf32>,
      %get3A_510 = arith.constant 80 : index
      %get3A_511 = tpu.vector_load %arg9[%get3A_510] {strides = array<i32>} : memref<128xf32, #tpu.memory_space<vmem>>, vector<16xf32>,
      %mul3A_512 = arith.mulf %get3A_509, %get3A_511 : vector<16xf32>
      %add3A_513 = arith.addf %add3A_505, %mul3A_512 : vector<16xf32>
      %get3A_514 = arith.constant 6 : i32
      %get3A_515 = arith.index_cast %get3A_514 : i32 to index
      %get3A_516 = arith.constant 96 : index
      %get3A_517 = tpu.vector_load %arg8[%get3A_515, %get3A_516] {strides = array<i32>} : memref<8x128xf32, #tpu.memory_space<vmem>>, vector<16xf32>,
      %get3A_518 = arith.constant 96 : index
      %get3A_519 = tpu.vector_load %arg9[%get3A_518] {strides = array<i32>} : memref<128xf32, #tpu.memory_space<vmem>>, vector<16xf32>,
      %mul3A_520 = arith.mulf %get3A_517, %get3A_519 : vector<16xf32>
      %add3A_521 = arith.addf %add3A_513, %mul3A_520 : vector<16xf32>
      %get3A_522 = arith.constant 6 : i32
      %get3A_523 = arith.index_cast %get3A_522 : i32 to index
      %get3A_524 = arith.constant 112 : index
      %get3A_525 = tpu.vector_load %arg8[%get3A_523, %get3A_524] {strides = array<i32>} : memref<8x128xf32, #tpu.memory_space<vmem>>, vector<16xf32>,
      %get3A_526 = arith.constant 112 : index
      %get3A_527 = tpu.vector_load %arg9[%get3A_526] {strides = array<i32>} : memref<128xf32, #tpu.memory_space<vmem>>, vector<16xf32>,
      %mul3A_528 = arith.mulf %get3A_525, %get3A_527 : vector<16xf32>
      %add3A_529 = arith.addf %add3A_521, %mul3A_528 : vector<16xf32>
      %eq3A_530 = arith.constant 6 : i32
      %eq3A_531 = vector.broadcast %eq3A_530 : i32 to vector<16xi32>
      %eq3A_532 = arith.cmpi eq, %iota3A, %eq3A_531 : vector<16xi32>
      %reduce_sum3A_533 = arith.constant true
      %reduce_sum3A_534 = vector.broadcast %reduce_sum3A_533 : i1 to vector<16xi1>
      %reduce_sum3A_535 = tpu.scan <sum>, %add3A_529 masked %reduce_sum3A_534 : vector<16xf32>, vector<16xi1> -> vector<16xf32>
      %reduce_sum3A_536 = vector.extract %reduce_sum3A_535[15] : f32 from vector<16xf32>
      %broadcast_in_dim3A_537 = vector.broadcast %reduce_sum3A_536 : f32 to vector<16xf32>
      %select_n3A_538 = arith.select %eq3A_532, %broadcast_in_dim3A_537, %select_n3A_466 : vector<16xi1>, vector<16xf32>
      %get3A_539 = arith.constant 7 : i32
      %get3A_540 = arith.index_cast %get3A_539 : i32 to index
      %get3A_541 = arith.constant 0 : index
      %get3A_542 = tpu.vector_load %arg8[%get3A_540, %get3A_541] {strides = array<i32>} : memref<8x128xf32, #tpu.memory_space<vmem>>, vector<16xf32>,
      %get3A_543 = arith.constant 0 : index
      %get3A_544 = tpu.vector_load %arg9[%get3A_543] {strides = array<i32>} : memref<128xf32, #tpu.memory_space<vmem>>, vector<16xf32>,
      %mul3A_545 = arith.mulf %get3A_542, %get3A_544 : vector<16xf32>
      %get3A_546 = arith.constant 7 : i32
      %get3A_547 = arith.index_cast %get3A_546 : i32 to index
      %get3A_548 = arith.constant 16 : index
      %get3A_549 = tpu.vector_load %arg8[%get3A_547, %get3A_548] {strides = array<i32>} : memref<8x128xf32, #tpu.memory_space<vmem>>, vector<16xf32>,
      %get3A_550 = arith.constant 16 : index
      %get3A_551 = tpu.vector_load %arg9[%get3A_550] {strides = array<i32>} : memref<128xf32, #tpu.memory_space<vmem>>, vector<16xf32>,
      %mul3A_552 = arith.mulf %get3A_549, %get3A_551 : vector<16xf32>
      %add3A_553 = arith.addf %mul3A_545, %mul3A_552 : vector<16xf32>
      %get3A_554 = arith.constant 7 : i32
      %get3A_555 = arith.index_cast %get3A_554 : i32 to index
      %get3A_556 = arith.constant 32 : index
      %get3A_557 = tpu.vector_load %arg8[%get3A_555, %get3A_556] {strides = array<i32>} : memref<8x128xf32, #tpu.memory_space<vmem>>, vector<16xf32>,
      %get3A_558 = arith.constant 32 : index
      %get3A_559 = tpu.vector_load %arg9[%get3A_558] {strides = array<i32>} : memref<128xf32, #tpu.memory_space<vmem>>, vector<16xf32>,
      %mul3A_560 = arith.mulf %get3A_557, %get3A_559 : vector<16xf32>
      %add3A_561 = arith.addf %add3A_553, %mul3A_560 : vector<16xf32>
      %get3A_562 = arith.constant 7 : i32
      %get3A_563 = arith.index_cast %get3A_562 : i32 to index
      %get3A_564 = arith.constant 48 : index
      %get3A_565 = tpu.vector_load %arg8[%get3A_563, %get3A_564] {strides = array<i32>} : memref<8x128xf32, #tpu.memory_space<vmem>>, vector<16xf32>,
      %get3A_566 = arith.constant 48 : index
      %get3A_567 = tpu.vector_load %arg9[%get3A_566] {strides = array<i32>} : memref<128xf32, #tpu.memory_space<vmem>>, vector<16xf32>,
      %mul3A_568 = arith.mulf %get3A_565, %get3A_567 : vector<16xf32>
      %add3A_569 = arith.addf %add3A_561, %mul3A_568 : vector<16xf32>
      %get3A_570 = arith.constant 7 : i32
      %get3A_571 = arith.index_cast %get3A_570 : i32 to index
      %get3A_572 = arith.constant 64 : index
      %get3A_573 = tpu.vector_load %arg8[%get3A_571, %get3A_572] {strides = array<i32>} : memref<8x128xf32, #tpu.memory_space<vmem>>, vector<16xf32>,
      %get3A_574 = arith.constant 64 : index
      %get3A_575 = tpu.vector_load %arg9[%get3A_574] {strides = array<i32>} : memref<128xf32, #tpu.memory_space<vmem>>, vector<16xf32>,
      %mul3A_576 = arith.mulf %get3A_573, %get3A_575 : vector<16xf32>
      %add3A_577 = arith.addf %add3A_569, %mul3A_576 : vector<16xf32>
      %get3A_578 = arith.constant 7 : i32
      %get3A_579 = arith.index_cast %get3A_578 : i32 to index
      %get3A_580 = arith.constant 80 : index
      %get3A_581 = tpu.vector_load %arg8[%get3A_579, %get3A_580] {strides = array<i32>} : memref<8x128xf32, #tpu.memory_space<vmem>>, vector<16xf32>,
      %get3A_582 = arith.constant 80 : index
      %get3A_583 = tpu.vector_load %arg9[%get3A_582] {strides = array<i32>} : memref<128xf32, #tpu.memory_space<vmem>>, vector<16xf32>,
      %mul3A_584 = arith.mulf %get3A_581, %get3A_583 : vector<16xf32>
      %add3A_585 = arith.addf %add3A_577, %mul3A_584 : vector<16xf32>
      %get3A_586 = arith.constant 7 : i32
      %get3A_587 = arith.index_cast %get3A_586 : i32 to index
      %get3A_588 = arith.constant 96 : index
      %get3A_589 = tpu.vector_load %arg8[%get3A_587, %get3A_588] {strides = array<i32>} : memref<8x128xf32, #tpu.memory_space<vmem>>, vector<16xf32>,
      %get3A_590 = arith.constant 96 : index
      %get3A_591 = tpu.vector_load %arg9[%get3A_590] {strides = array<i32>} : memref<128xf32, #tpu.memory_space<vmem>>, vector<16xf32>,
      %mul3A_592 = arith.mulf %get3A_589, %get3A_591 : vector<16xf32>
      %add3A_593 = arith.addf %add3A_585, %mul3A_592 : vector<16xf32>
      %get3A_594 = arith.constant 7 : i32
      %get3A_595 = arith.index_cast %get3A_594 : i32 to index
      %get3A_596 = arith.constant 112 : index
      %get3A_597 = tpu.vector_load %arg8[%get3A_595, %get3A_596] {strides = array<i32>} : memref<8x128xf32, #tpu.memory_space<vmem>>, vector<16xf32>,
      %get3A_598 = arith.constant 112 : index
      %get3A_599 = tpu.vector_load %arg9[%get3A_598] {strides = array<i32>} : memref<128xf32, #tpu.memory_space<vmem>>, vector<16xf32>,
      %mul3A_600 = arith.mulf %get3A_597, %get3A_599 : vector<16xf32>
      %add3A_601 = arith.addf %add3A_593, %mul3A_600 : vector<16xf32>
      %eq3A_602 = arith.constant 7 : i32
      %eq3A_603 = vector.broadcast %eq3A_602 : i32 to vector<16xi32>
      %eq3A_604 = arith.cmpi eq, %iota3A, %eq3A_603 : vector<16xi32>
      %reduce_sum3A_605 = arith.constant true
      %reduce_sum3A_606 = vector.broadcast %reduce_sum3A_605 : i1 to vector<16xi1>
      %reduce_sum3A_607 = tpu.scan <sum>, %add3A_601 masked %reduce_sum3A_606 : vector<16xf32>, vector<16xi1> -> vector<16xf32>
      %reduce_sum3A_608 = vector.extract %reduce_sum3A_607[15] : f32 from vector<16xf32>
      %broadcast_in_dim3A_609 = vector.broadcast %reduce_sum3A_608 : f32 to vector<16xf32>
      %select_n3A_610 = arith.select %eq3A_604, %broadcast_in_dim3A_609, %select_n3A_538 : vector<16xi1>, vector<16xf32>
      %swap3A_611 = arith.constant 0 : index
      %swap3A_612 = tpu.vector_load %arg10[%swap3A_611] {strides = array<i32>} : memref<16xf32, #tpu.memory_space<vmem>>, vector<16xf32>,
      tpu.vector_store %arg10[%swap3A_611], %select_n3A_610 {strides = array<i32>} : memref<16xf32, #tpu.memory_space<vmem>>, vector<16xf32>,
      %mul3A_613 = arith.constant 8 : i32
      %mul3A_614 = arith.muli %add3A, %mul3A_613 : i32
      "tpu.region"() ({
        %run_scoped3A = tpu.sem_alloc : memref<!tpu.dma_semaphore, #tpu.memory_space<semaphore_mem>>
        %dma_start3A_615 = arith.constant 0 : i32
        %dma_start3A_616 = tpu.memref_slice %arg10[%dma_start3A_615] : memref<16xf32, #tpu.memory_space<vmem>> -> memref<8xf32, #tpu.memory_space<vmem>>
        %dma_start3A_617 = tpu.memref_slice %arg5[%mul3A_614] : memref<104xf32, #tpu.memory_space<hbm>> -> memref<8xf32, #tpu.memory_space<hbm>>
        %dma_start3A_618 = tpu.memref_slice %arg5[%mul3A_614] : memref<104xf32, #tpu.memory_space<hbm>> -> memref<8xf32, #tpu.memory_space<hbm>>
        %dma_start3A_619 = arith.constant 0 : i32
        %dma_start3A_620 = tpu.memref_slice %arg10[%dma_start3A_619] : memref<16xf32, #tpu.memory_space<vmem>> -> memref<8xf32, #tpu.memory_space<vmem>>
        tpu.enqueue_dma source(%dma_start3A_620 : memref<8xf32, #tpu.memory_space<vmem>>) target(%dma_start3A_618 : memref<8xf32, #tpu.memory_space<hbm>>) target_semaphore(%run_scoped3A : memref<!tpu.dma_semaphore, #tpu.memory_space<semaphore_mem>>)
        %dma_wait3A_621 = arith.constant 0 : i32
        %dma_wait3A_622 = tpu.memref_slice %arg10[%dma_wait3A_621] : memref<16xf32, #tpu.memory_space<vmem>> -> memref<8xf32, #tpu.memory_space<vmem>>
        %dma_wait3A_623 = tpu.memref_slice %arg5[%mul3A_614] : memref<104xf32, #tpu.memory_space<hbm>> -> memref<8xf32, #tpu.memory_space<hbm>>
        %dma_wait3A_624 = tpu.memref_slice %arg5[%mul3A_614] : memref<104xf32, #tpu.memory_space<hbm>> -> memref<8xf32, #tpu.memory_space<hbm>>
        %dma_wait3A_625 = arith.constant 0 : i32
        %dma_wait3A_626 = tpu.memref_slice %arg10[%dma_wait3A_625] : memref<16xf32, #tpu.memory_space<vmem>> -> memref<8xf32, #tpu.memory_space<vmem>>
        tpu.wait_dma2 semaphore(%run_scoped3A : memref<!tpu.dma_semaphore, #tpu.memory_space<semaphore_mem>>) src(%dma_wait3A_626 : memref<8xf32, #tpu.memory_space<vmem>>) dst(%dma_wait3A_624 : memref<8xf32, #tpu.memory_space<hbm>>)
        tpu.yield
      }) : () -> ()
    } else {
    }
    return
  }
}

</mosaic_0001>

<sc_bundles>
// kernel: kernel.3.cloned.1.call-start
scs
__scs_entry_jumppad:
0x0: {  	(pc) =	sbr.rel $0x88, $3  }
0x1: {  	(tag) =	ssettag $0x0;
	lr =	simm.s32 $0x1  }
0x2: {  	[smem:$0x3F9E] =	sst lr;
	_ =	strace $0xD0000000  }
0x3: {  	_ = 	snop  }
0x4: {  	_ = 	snop  }
0x5: {  	_ = 	snop  }
0x6: {  	_ = 	snop  }
0x7: {  	_ = 	snop  }
__scs_overlays_trampoline_lowered:
0x8: {  	[smem:$0x3FAD] =	sst s0  }
0x9: {  	[smem:$0x3FAE] =	sst s1  }
0xa: {  	[smem:$0x3FAF] =	sst s2  }
0xb: {  	[smem:$0x3FB0] =	sst s3  }
0xc: {  	[smem:$0x3FB1] =	sst s4  }
0xd: {  	[smem:$0x3FB2] =	sst s5  }
0xe: {  	[smem:$0x3FB3] =	sst s6  }
0xf: {  	[smem:$0x3FB4] =	sst s7  }
0x10: {  	[smem:$0x3FB5] =	sst s8  }
0x11: {  	[smem:$0x3FB6] =	sst s9;
	s0 =	simm.s32 @!p0 $0x0  }
0x12: {  	s1 =	sld [smem:$0x3F9C];
	s0 =	simm.s32 @p0 $0x1  }
0x13: {  	[smem:$0x3FB7] =	sst s0;
	s0 =	simm.s32 @!p1 $0x0  }
0x14: {  	s2 =	sld [smem:$0x3F9B];
	s0 =	simm.s32 @p1 $0x1  }
0x15: {  	[smem:$0x3FB8] =	sst s0;
	s0 =	simm.s32 @!p2 $0x0  }
0x16: {  	s3 =	sld [smem:$0x3FDB];
	s0 =	simm.s32 @p2 $0x1  }
0x17: {  	s4 =	simm.s32 $0x1BF5;
	[smem:$0x3FBA] =	sst s0  }
0x18: {  	s0 =	sld [smem:$0x3F9D];
	_ =	swait.ge [sflag:s4], $0x0  }
0x19: {  	s7 =	sld [smem:$0x3F9E]  }
0x1a: {  	s8 =	sadd.s32 $0xFFFFE003, lr  }
0x1b: {  	s9 =	sadd.s32 $0xFFFFFEF7, lr;
	s5 =	simm.s32 $0xFFFFFFFF;
	p2 =	slt.u32 s8, $0xFFFFF086  }
0x1c: {  	p1 =	slt.u32 s9, $0xF7A;
	s5 =	simm.s32 @!p2 $0x0  }
0x1d: {  	s5 =	simm.s32 @p1 $0x1;
	p0 =	seq.s32 s7, s2  }
0x1e: {  	s7 =	smul.u32 @!p0 $0xF7A, s2;
	p2 =	seq.s32 @!p0 s5, $0x0  }
0x1f: {  	s9 =	smul.u32 $0xF7A, s1;
	s8 =	simm.s32 @!p0 $0x1BF5;
	p2 =	por !p2, p0  }
0x20: {  	[sflag:s8] =	ssyncset.s32 @!p0 $0xFFFFF086;
	s6 =	sadd.s32 @!p0 s3, s7;
	s7 =	simm.s32 @!p0 $0x108  }
0x21: {  	s3 =	sadd.s32 s3, s9;
	s6 =	sadd.s32 @!p0 $0x88, s6;
	s7 =	simm.s32 @p2 $0x1082  }
0x22: {  	[simem:s7], [sflag:s8] =	dma.local @!p0 [hbm:s6], $0xF7A  }
0x23: {  	s9 =	sor.u32 $0xD0000000, s2;
	s6 =	simm.s32 $0x108;
	_ =	swait.ge @!p0 [sflag:s8], $0x0  }
0x24: {  	s3 =	sadd.s32 $0x88, s3;
	s6 =	simm.s32 @!p1 $0x1082;
	[sflag:s4] =	ssyncset.s32 $0xFFFFF086  }
0x25: {  	[simem:s6], [sflag:s4] =	dma.local [hbm:s3], $0xF7A  }
0x26: {  	[smem:$0x3F9E] =	sst s1;
	(tag) =	ssettag s2;
	_ =	strace s9  }
0x27: {  	s1 =	sld [smem:$0x3FAE]  }
0x28: {  	s2 =	sld [smem:$0x3FAF]  }
0x29: {  	s4 =	sld [smem:$0x3FB1]  }
0x2a: {  	p0 =	seq.s32 s5, $0x0;
	s5 =	sld [smem:$0x3FB2]  }
0x2b: {  	s6 =	sld [smem:$0x3FB3]  }
0x2c: {  	s7 =	sld [smem:$0x3FB4]  }
0x2d: {  	s3 =	simm.s32 $0x108;
	s8 =	sld [smem:$0x3FB5]  }
0x2e: {  	s3 =	simm.s32 @!p0 $0x1082;
	s9 =	sld [smem:$0x3FB6]  }
0x2f: {  	lr =	sadd.s32 s0, s3;
	s0 =	sld [smem:$0x3FAD]  }
0x30: {  	s3 =	sld [smem:$0x3FB0]  }
0x31: {  	[smem:$0x3FB9] =	sst s10  }
0x32: {  	s10 =	sld [smem:$0x3FB7];
	_ =	sdelay $0x3  }
0x33: {  	p0 =	seq.s32 s10, $0x1;
	s10 =	sld [smem:$0x3FB9];
	_ =	sdelay $0x3  }
0x34: {  	[smem:$0x3FB9] =	sst s10  }
0x35: {  	s10 =	sld [smem:$0x3FB8];
	_ =	sdelay $0x3  }
0x36: {  	p1 =	seq.s32 s10, $0x1;
	s10 =	sld [smem:$0x3FB9];
	_ =	sdelay $0x3  }
0x37: {  	[smem:$0x3FB9] =	sst s10  }
0x38: {  	s10 =	sld [smem:$0x3FBA]  }
0x39: {  	_ = 	snop;
	(pc) =	sbr.ind lr, $3  }
0x3a: {  	_ = 	snop  }
0x3b: {  	_ = 	snop  }
0x3c: {  	p2 =	seq.s32 s10, $0x1;
	s10 =	sld [smem:$0x3FB9]  }
0x3d: {  	_ =	shalt  }
0x3e: {  	_ =	shalt  }
0x3f: {  	_ =	shalt  }
0x40: {  	_ =	shalt  }
0x41: {  	_ =	shalt  }
0x42: {  	_ =	shalt  }
0x43: {  	_ =	shalt  }
0x44: {  	_ =	shalt  }
0x45: {  	_ =	shalt  }
0x46: {  	_ =	shalt  }
0x47: {  	_ =	shalt  }
0x48: {  	_ =	shalt  }
0x49: {  	_ =	shalt  }
0x4a: {  	_ =	shalt  }
0x4b: {  	_ =	shalt  }
0x4c: {  	_ =	shalt  }
0x4d: {  	_ =	shalt  }
0x4e: {  	_ =	shalt  }
0x4f: {  	_ =	shalt  }
0x50: {  	_ =	shalt  }
0x51: {  	_ =	shalt  }
0x52: {  	_ =	shalt  }
0x53: {  	_ =	shalt  }
0x54: {  	_ =	shalt  }
0x55: {  	_ =	shalt  }
0x56: {  	_ =	shalt  }
0x57: {  	_ =	shalt  }
0x58: {  	_ =	shalt  }
0x59: {  	_ =	shalt  }
0x5a: {  	_ =	shalt  }
0x5b: {  	_ =	shalt  }
0x5c: {  	_ =	shalt  }
0x5d: {  	_ =	shalt  }
0x5e: {  	_ =	shalt  }
0x5f: {  	_ =	shalt  }
0x60: {  	_ =	shalt  }
0x61: {  	_ =	shalt  }
0x62: {  	_ =	shalt  }
0x63: {  	_ =	shalt  }
0x64: {  	_ =	shalt  }
0x65: {  	_ =	shalt  }
0x66: {  	_ =	shalt  }
0x67: {  	_ =	shalt  }
0x68: {  	_ =	shalt  }
0x69: {  	_ =	shalt  }
0x6a: {  	_ =	shalt  }
0x6b: {  	_ =	shalt  }
0x6c: {  	_ =	shalt  }
0x6d: {  	_ =	shalt  }
0x6e: {  	_ =	shalt  }
0x6f: {  	_ =	shalt  }
0x70: {  	_ =	shalt  }
0x71: {  	_ =	shalt  }
0x72: {  	_ =	shalt  }
0x73: {  	_ =	shalt  }
0x74: {  	_ =	shalt  }
0x75: {  	_ =	shalt  }
0x76: {  	_ =	shalt  }
0x77: {  	_ =	shalt  }
0x78: {  	_ =	shalt  }
0x79: {  	_ =	shalt  }
0x7a: {  	_ =	shalt  }
0x7b: {  	_ =	shalt  }
0x7c: {  	_ =	shalt  }
0x7d: {  	_ =	shalt  }
0x7e: {  	_ =	shalt  }
0x7f: {  	_ =	shalt  }
0x80: {  	_ =	shalt  }
0x81: {  	_ =	shalt  }
0x82: {  	_ =	shalt  }
0x83: {  	_ =	shalt  }
0x84: {  	_ =	shalt  }
0x85: {  	_ =	shalt  }
0x86: {  	_ =	shalt  }
0x87: {  	_ =	shalt  }
.Lfunc_end0:
.L_simem_size_0:
called_computation_lowered:
.L_overlay_start_0:
0x88: {  	s0 =	sld [smem:$0x3FD9]  }
0x89: {  	s1 =	sld [smem:$0x3FFE];
	_ =	sdelay $0x3  }
0x8a: {  	s0 =	sadd.s32 s1, s0  }
0x8b: {  	[smem:$0x3FC5] =	sst s0  }
0x8c: {  	_ = 	snop  }
0x8d: {  	s0 =	sld [smem:$0x3FC9]  }
0x8e: {  	s17 =	sld [smem:$0x3FC8]  }
0x8f: {  	s2 =	sld [smem:$0x3FC7]  }
0x90: {  	s3 =	sld [smem:$0x3FD0];
	(tm) =	ssettm $0x1  }
0x91: {  	s4 =	sld [smem:$0x3FFB];
	_ =	sdelay $0x3  }
0x92: {  	_ =	strace s4  }
0x93: {  	s4 =	sld [smem:$0x3FFC];
	_ =	sdelay $0x3  }
0x94: {  	_ =	strace s4  }
0x95: {  	s4 =	sld [smem:$0x3FFD];
	_ =	sdelay $0x3  }
0x96: {  	_ =	strace s4  }
0x97: {  	_ =	strace $0x8FFFFFFF  }
0x98: {  	s18 =	sld [smem:$0x3FDB];
	_ =	sdelay $0x1  }
0x99: {  	s5 =	simm.s32 $_scs_section_size  }
0x9a: {  	s6 =	simm.s32 $_size__tile_overlayer_lowered;
	s7 =	simm.s32 $_tile_overlayer_lowered  }
0x9b: {  	s21 =	simm.s32 $0x1BFF;
	s20 =	sshll.u32 s7, $0x1;
	s4 =	sadd.s32 s5, s18  }
0x9c: {  	s8 =	simm.s32 $0x0;
	s19 =	sshll.u32 s6, $0x1;
	s6 =	sadd.s32 s20, s4  }
0x9d: {  	[timem:s8], [sflag:s21] =	dma.local [hbm:s6], s19  }
0x9e: {  	_ =	swait.ge [sflag:s21], s19  }
0x9f: {  	s5 =	ssub.s32 $0x0, s19;
	[sflag:s21] =	ssyncset.done $0x0  }
0xa0: {  	[sflag:s21] =	ssyncadd.s32 s5;
	_ =	sdelay $0x1  }
0xa1: {  	s22 =	simm.s32 $0x1B8B  }
0xa2: {  	_ =	swait.ge [sflag:s22], $0x1  }
0xa3: {  	[sflag:s22] =	ssyncset.done $0x0  }
0xa4: {  	s23 =	simm.s32 $0x1B8E;
	[sflag:s22] =	ssyncadd.s32 $0xFFFFFFFF  }
0xa5: {  	s24 =	simm.s32 $execute0_lowered;
	[smem:$0x3FD2] =	sst s23  }
0xa6: {  	s5 =	sshll.u32 s24, $0x1;
	_ =	strace $0x80000046;
	[dreg:$0x1] =	wrdreg $0xFFFFFFFF  }
0xa7: {  	s25 =	simm.s32 $_size_execute0_lowered;
	s4 =	sadd.s32 s4, s5;
	[dreg:$0x0] =	wrdreg $0x0  }
0xa8: {  	s5 =	sshll.u32 s25, $0x1;
	[dreg:$0x2] =	wrdreg s4  }
0xa9: {  	[dreg:$0x3] =	wrdreg s5  }
0xaa: {  	[dreg:$0x4] =	wrdreg $0xC0  }
0xab: {  	_ =	task [dreg:s8], $0x5FFFF  }
0xac: {  	[dreg:$0x1] =	wrdreg $0xFFFFFFFF  }
0xad: {  	[dreg:$0x0] =	wrdreg $0x60  }
0xae: {  	[dreg:$0x2] =	wrdreg s0  }
0xaf: {  	[dreg:$0x3] =	wrdreg s17  }
0xb0: {  	[dreg:$0x4] =	wrdreg s2  }
0xb1: {  	[dreg:$0x5] =	wrdreg s3  }
0xb2: {  	[dreg:$0x6] =	wrdreg $0x9  }
0xb3: {  	_ =	task.clear_ibuf [dreg:s8], $0x7FFFF;
	_ =	strace $0x90000046  }
0xb4: {  	s26 =	simm.s32 $0x9;
	_ =	strace $0x80000048  }
0xb5: {  	_ =	swait.ge [sflag:s26], $0x1  }
0xb6: {  	[sflag:s26] =	ssyncadd.s32 $0xFFFFFFFF  }
0xb7: {  	_ =	strace $0x90000048  }
0xb8: {  	_ =	sfence  }
0xb9: {  	s28 =	sld [smem:$0x0];
	_ =	sdelay $0x1  }
0xba: {  	s29 =	srdreg.scid  }
0xbb: {  	s30 =	sshll.u32 s29, $0xD;
	s31 =	sshrl.u32 s29, $0x2  }
0xbc: {  	s1 =	sand.u32 $0x1, s29;
	s2 =	sand.u32 $0x4000, s30;
	s0 =	sadd.s32 s31, s28  }
0xbd: {  	s1 =	sor.u32 s2, s1;
	s0 =	sshll.u32 s0, $0x11  }
0xbe: {  	s0 =	sor.u32 s0, s1  }
0xbf: {  	s0 =	sadd.s32 $0x8F2B, s0  }
0xc0: {  	[sflag:s0] =	ssyncadd.remote.s32 $0x1  }
0xc1: {  	_ =	sfence.sel $0xFFFF  }
0xc2: {  	[dreg:$0x0] =	wrdreg $0xFFFFFFFF;
	(pc) =	sbr.abs _section_cstart, $3  }
0xc3: {  	[dreg:$0x1] =	wrdreg $0xFFFFFFFF  }
0xc4: {  	_ =	task.clear_ibuf [dreg:s8], $0x2FFFF;
	_ =	strace $0x9FFFFFFF  }
0xc5: {  	(tm) =	ssettm $0x7FFFFFFF  }
tec
execute0_lowered:
.L_overlay_start_1:
0x0: {  	(tag) =	ssettag $0x1  }
0x1: {  	s1 =	stileid.u32  }
0x2: {  	s4 =	rddreg [dreg:$0x0];
	p0 =	sgt.u32 s1, $0xC  }
.Ltmp0:
0x3: {  	s5 =	rddreg [dreg:$0x1];
	(pc) =	sbr.rel @p0 .LBB2_2-.Ltmp0, $4  }
0x4: {  	s6 =	rddreg [dreg:$0x2]  }
0x5: {  	s3 =	rddreg [dreg:$0x3];
	s2 =	simm.s32 $0x0  }
0x6: {  	[smem:$0x7FF] =	sst s2  }
0x7: {  	s0 =	rddreg [dreg:$0x4];
	_ =	strace $0x80000047  }
0x8: {  	p0 =	seq.s32 s1, $0xC  }
0x9: {  	s7 =	sadd.s32 $0x18, s6;
	s8 =	simm.s32 @p0 $0x0  }
0xa: {  	[tilespmem:s8], [sflag:$0x1] =	stream.linear.gather @p0 [hbm4b:s7+s8], $0x8, $0x38;
	[tilespmem:$0x600] =	vst v63  }
0xb: {  	s7 =	simm.s32 @p0 $0x500  }
0xc: {  	[tilespmem:s7], [sflag:$0x2] =	stream.linear.gather @p0 [hbm4b:s5+s8], $0x80, $0x38;
	[tilespmem:$0x600] =	vst v63  }
0xd: {  	s7 =	simm.s32 @p0 $0x1  }
0xe: {  	_ =	swait.ge @p0 [sflag:s7], $0x8  }
0xf: {  	s23 =	sshll.u32 s1, $0x1;
	[sflag:s7] =	ssyncset.done @p0 $0x0  }
0x10: {  	s6 =	sadd.s32 s6, s23;
	[sflag:s7] =	ssyncadd.s32 @p0 $0xFFFFFFF8;
	s7 =	simm.s32 @!p0 $0x0  }
0x11: {  	v0 =	vlaneseq.u32;
	[tilespmem:s7], [sflag:$0x1] =	stream.linear.gather @!p0 [hbm4b:s6+s7], $0x10, $0x38;
	[tilespmem:$0x600] =	vst v63  }
0x12: {  	v0 =	vmul.u32 $0x2, v0;
	s6 =	simm.s32 @!p0 $0xE  }
0x13: {  	s8 =	simm.s32 @!p0 $0x500;
	s6 =	simm.s32 @p0 $0x6  }
0x14: {  	[tilespmem:s8], [sflag:$0x2] =	stream.linear.gather @!p0 [hbm4b:s5+s7], $0x80, $0x38;
	v0 =	vmin.u32 v0, s6;
	[tilespmem:$0x600] =	vst v63  }
0x15: {  	s5 =	simm.s32 @!p0 $0x1  }
0x16: {  	_ =	swait.ge @!p0 [sflag:s5], $0x10;
	v1 =	vor.u32 $0x1, v0  }
0x17: {  	[sflag:s5] =	ssyncset.done @!p0 $0x0  }
0x18: {  	[sflag:s5] =	ssyncadd.s32 @!p0 $0xFFFFFFF0  }
0x19: {  	v0 =	vld.idx.msk [tilespmem:v0+s2+$0x0], $0xffff;
	_ =	sdelay $0x1  }
0x1a: {  	v1 =	vld.idx.msk [tilespmem:v1+s2+$0x0], $0xffff;
	_ =	sdelay $0x2  }
0x1b: {  	v0 =	vmul.u32 $0x1C, v0;
	_ =	sdelay $0x1  }
0x1c: {  	s24 =	simm.s32 $0x8;
	v0 =	vadd.s32 v1, v0  }
0x1d: {  	s25 =	simm.s32 $0x80;
	s26 =	simm.s32 $0x100;
	s28 =	simm.s32 $0x1;
	[tilespmem:$0x80] =	vst v0  }
0x1e: {  	[tilespmem:s26], [sflag:$0x1] =	stream.indirect.gather [hbm4b:s4+s24], $0x80, s25, s24, $0xb8;
	[tilespmem:$0x600] =	vst v63  }
0x1f: {  	_ =	swait.ge [sflag:s28], $0x400  }
0x20: {  	[sflag:s28] =	ssyncset.done $0x0  }
0x21: {  	s29 =	simm.s32 $0x2;
	[sflag:s28] =	ssyncadd.s32 $0xFFFFFC00  }
0x22: {  	_ =	swait.ge [sflag:s29], $0x80  }
0x23: {  	[sflag:s29] =	ssyncset.done $0x0  }
0x24: {  	[sflag:s29] =	ssyncadd.s32 $0xFFFFFF80  }
0x25: {  	v8 =	vld [tilespmem:$0x100]  }
0x26: {  	v6 =	vld [tilespmem:$0x500]  }
0x27: {  	v9 =	vld [tilespmem:$0x110]  }
0x28: {  	v7 =	vld [tilespmem:$0x510]  }
0x29: {  	v10 =	vld [tilespmem:$0x120]  }
0x2a: {  	v5 =	vld [tilespmem:$0x520]  }
0x2b: {  	v11 =	vld [tilespmem:$0x130]  }
0x2c: {  	v4 =	vld [tilespmem:$0x530]  }
0x2d: {  	v12 =	vld [tilespmem:$0x140]  }
0x2e: {  	v3 =	vld [tilespmem:$0x540]  }
0x2f: {  	v13 =	vld [tilespmem:$0x150]  }
0x30: {  	v2 =	vld [tilespmem:$0x550]  }
0x31: {  	v14 =	vld [tilespmem:$0x160]  }
0x32: {  	v1 =	vld [tilespmem:$0x560]  }
0x33: {  	v15 =	vld [tilespmem:$0x170]  }
0x34: {  	v0 =	vld [tilespmem:$0x570]  }
0x35: {  	v16 =	vld [tilespmem:$0x180]  }
0x36: {  	v17 =	vld [tilespmem:$0x190]  }
0x37: {  	v18 =	vld [tilespmem:$0x1A0]  }
0x38: {  	v19 =	vld [tilespmem:$0x1B0]  }
0x39: {  	v20 =	vld [tilespmem:$0x1C0]  }
0x3a: {  	v21 =	vld [tilespmem:$0x1D0]  }
0x3b: {  	v22 =	vld [tilespmem:$0x1E0]  }
0x3c: {  	v23 =	vld [tilespmem:$0x1F0]  }
0x3d: {  	v24 =	vld [tilespmem:$0x200]  }
0x3e: {  	v25 =	vld [tilespmem:$0x210]  }
0x3f: {  	v26 =	vld [tilespmem:$0x220]  }
0x40: {  	v27 =	vld [tilespmem:$0x230]  }
0x41: {  	v28 =	vld [tilespmem:$0x240]  }
0x42: {  	v29 =	vld [tilespmem:$0x250]  }
0x43: {  	v30 =	vld [tilespmem:$0x260]  }
0x44: {  	v31 =	vld [tilespmem:$0x270]  }
0x45: {  	v32 =	vld [tilespmem:$0x280]  }
0x46: {  	v33 =	vld [tilespmem:$0x290];
	v8 =	vmul.f32 v6, v8  }
0x47: {  	v34 =	vld [tilespmem:$0x2A0];
	v9 =	vmul.f32 v7, v9;
	v16 =	vmul.f32 v16, v6  }
0x48: {  	v35 =	vld [tilespmem:$0x2B0];
	v17 =	vmul.f32 v17, v7;
	v43 =	vmul.f32 v5, v10  }
0x49: {  	v36 =	vld [tilespmem:$0x2C0];
	v44 =	vmul.f32 v18, v5;
	v45 =	vmul.f32 v4, v11  }
0x4a: {  	v47 =	vld [tilespmem:$0x300];
	v46 =	vmul.f32 v19, v4;
	v48 =	vmul.f32 v3, v12  }
0x4b: {  	v49 =	vld [tilespmem:$0x310];
	v50 =	vmul.f32 v20, v3;
	v51 =	vmul.f32 v2, v13  }
0x4c: {  	v61 =	vld [tilespmem:$0x380];
	v52 =	vmul.f32 v1, v14;
	v53 =	vmul.f32 v21, v2  }
0x4d: {  	v63 =	vld [tilespmem:$0x390];
	v54 =	vmul.f32 v22, v1;
	v55 =	vmul.f32 v24, v6  }
0x4e: {  	v38 =	vld [tilespmem:$0x3A0];
	v56 =	vmul.f32 v25, v7;
	v57 =	vmul.f32 v32, v6  }
0x4f: {  	v42 =	vld [tilespmem:$0x3C0];
	v58 =	vmul.f32 v33, v7;
	v59 =	vmul.f32 v26, v5  }
0x50: {  	v10 =	vld [tilespmem:$0x2D0];
	v60 =	vmul.f32 v34, v5;
	v15 =	vmul.f32 v0, v15  }
0x51: {  	v18 =	vld [tilespmem:$0x2E0];
	v62 =	vmul.f32 v27, v4;
	v23 =	vmul.f32 v23, v0  }
0x52: {  	v11 =	vld [tilespmem:$0x2F0];
	v37 =	vmul.f32 v35, v4;
	v39 =	vmul.f32 v28, v3  }
0x53: {  	v14 =	vld [tilespmem:$0x330];
	v47 =	vmul.f32 v47, v6;
	v12 =	vmul.f32 v49, v7;
	v8 =	vadd.f32 v9, v8  }
0x54: {  	v22 =	vld [tilespmem:$0x340];
	v41 =	vmul.f32 v36, v3;
	v16 =	vadd.f32 v17, v16;
	v9 =	vadd.f32 v56, v55  }
0x55: {  	v25 =	vld [tilespmem:$0x350];
	v49 =	vmul.f32 v63, v7;
	v17 =	vadd.f32 v58, v57;
	v12 =	vadd.f32 v12, v47  }
0x56: {  	v63 =	vld [tilespmem:$0x430];
	v55 =	vmul.f32 v31, v0;
	v8 =	vadd.f32 v43, v8;
	v16 =	vadd.f32 v44, v16  }
0x57: {  	v24 =	vld [tilespmem:$0x370];
	v9 =	vadd.f32 v59, v9;
	v43 =	vmul.f32 v29, v2;
	v44 =	vmul.f32 v30, v1  }
0x58: {  	v20 =	vld [tilespmem:$0x320];
	v17 =	vadd.f32 v60, v17;
	v10 =	vmul.f32 v10, v2;
	v18 =	vmul.f32 v18, v1  }
0x59: {  	v33 =	vld [tilespmem:$0x360];
	v56 =	vmul.f32 v14, v4;
	v11 =	vmul.f32 v11, v0;
	v8 =	vadd.f32 v45, v8  }
0x5a: {  	v32 =	vld [tilespmem:$0x4C0];
	v59 =	vmul.f32 v22, v3;
	v31 =	vmul.f32 v25, v2;
	v16 =	vadd.f32 v46, v16  }
0x5b: {  	v30 =	vld [tilespmem:$0x440];
	v36 =	vmul.f32 v63, v4;
	v9 =	vadd.f32 v62, v9;
	v8 =	vadd.f32 v48, v8  }
0x5c: {  	v57 =	vld [tilespmem:$0x490];
	v47 =	vmul.f32 v24, v0;
	v17 =	vadd.f32 v37, v17;
	v16 =	vadd.f32 v50, v16  }
0x5d: {  	v58 =	vld [tilespmem:$0x420];
	v62 =	vmul.f32 v42, v3;
	v9 =	vadd.f32 v39, v9;
	v8 =	vadd.f32 v51, v8  }
0x5e: {  	v17 =	vadd.f32 v41, v17;
	v48 =	vmul.f32 v61, v6;
	v50 =	vld [tilespmem:$0x400];
	v16 =	vadd.f32 v53, v16  }
0x5f: {  	v39 =	vmul.f32 v33, v1;
	v9 =	vadd.f32 v43, v9;
	v8 =	vadd.f32 v52, v8;
	v52 =	vld [tilespmem:$0x410]  }
0x60: {  	v14 =	vmul.f32 v30, v3;
	v10 =	vadd.f32 v10, v17;
	v16 =	vadd.f32 v54, v16;
	v54 =	vld [tilespmem:$0x480]  }
0x61: {  	v60 =	vld [tilespmem:$0x4A0];
	v51 =	vmul.f32 v20, v5;
	v17 =	vadd.f32 v49, v48;
	v53 =	vmul.f32 v38, v5  }
0x62: {  	v40 =	vld [tilespmem:$0x3B0];
	v3 =	vmul.f32 v32, v3;
	v9 =	vadd.f32 v44, v9;
	v10 =	vadd.f32 v18, v10  }
0x63: {  	v19 =	vld [tilespmem:$0x3F0];
	v12 =	vadd.f32 v51, v12;
	v17 =	vadd.f32 v53, v17;
	v18 =	vmul.f32 v58, v5  }
0x64: {  	v28 =	vld [tilespmem:$0x4B0];
	v27 =	vmul.f32 v50, v6;
	v8 =	vadd.f32 v15, v8;
	v20 =	vmul.f32 v52, v7  }
0x65: {  	v45 =	vld [tilespmem:$0x3D0];
	v16 =	vadd.f32 v23, v16;
	v6 =	vmul.f32 v54, v6;
	v7 =	vmul.f32 v57, v7  }
0x66: {  	v46 =	vld [tilespmem:$0x3E0];
	v5 =	vmul.f32 v60, v5;
	v9 =	vadd.f32 v55, v9;
	v13 =	vadd.f32 v20, v27  }
0x67: {  	v35 =	vld [tilespmem:$0x450];
	v15 =	vmul.f32 v40, v4;
	v12 =	vadd.f32 v56, v12;
	v6 =	vadd.f32 v7, v6  }
0x68: {  	v37 =	vld [tilespmem:$0x4D0];
	v48 =	vmul.f32 v19, v0;
	v10 =	vadd.f32 v11, v10;
	v13 =	vadd.f32 v18, v13  }
0x69: {  	v38 =	vld [tilespmem:$0x460];
	v4 =	vmul.f32 v28, v4;
	v61 =	vadd.f32 v15, v17;
	v5 =	vadd.f32 v5, v6  }
0x6a: {  	v34 =	vmul.f32 v45, v2;
	v40 =	vld [tilespmem:$0x4E0];
	v12 =	vadd.f32 v59, v12;
	v13 =	vadd.f32 v36, v13  }
0x6b: {  	v42 =	vld [tilespmem:$0x470];
	v41 =	vmul.f32 v46, v1;
	v11 =	vadd.f32 v62, v61;
	v4 =	vadd.f32 v4, v5  }
0x6c: {  	v45 =	vld [tilespmem:$0x4F0];
	v44 =	vmul.f32 v35, v2;
	v12 =	vadd.f32 v31, v12;
	v43 =	vadd.f32 v14, v13  }
0x6d: {  	v2 =	vmul.f32 v37, v2;
	v7 =	vadd.f32 v34, v11;
	v3 =	vadd.f32 v3, v4  }
0x6e: {  	(xrf2) =	vadd.scan.msk.f32 $0xffff, v8;
	v11 =	vadd.f32 v39, v12;
	v6 =	vmul.f32 v38, v1;
	v46 =	vadd.f32 v44, v43  }
0x6f: {  	(xrf2) =	vadd.scan.msk.f32 $0xffff, v16;
	v1 =	vmul.f32 v40, v1;
	v5 =	vadd.f32 v41, v7;
	v2 =	vadd.f32 v2, v3  }
0x70: {  	v49 =	vmul.f32 v42, v0;
	(xrf2) =	vadd.scan.msk.f32 $0xffff, v9;
	v7 =	vadd.f32 v47, v11;
	v4 =	vadd.f32 v6, v46  }
0x71: {  	v0 =	vmul.f32 v45, v0;
	(xrf2) =	vadd.scan.msk.f32 $0xffff, v10;
	v3 =	vadd.f32 v48, v5;
	v1 =	vadd.f32 v1, v2  }
0x72: {  	(xrf2) =	vadd.scan.msk.f32 $0xffff, v7;
	v50 =	vadd.f32 v49, v4  }
0x73: {  	(xrf2) =	vadd.scan.msk.f32 $0xffff, v3;
	v0 =	vadd.f32 v0, v1  }
0x74: {  	(xrf2) =	vadd.scan.msk.f32 $0xffff, v50  }
0x75: {  	(xrf2) =	vadd.scan.msk.f32 $0xffff, v0;
	_ =	sdelay $0x2  }
0x76: {  	v51, _, _ =	vpop (xrf2)  }
0x77: {  	v52, _, _ =	vpop (xrf2);
	v0 =	vbroadcast v51, $0xF  }
0x78: {  	vm0 =	vmmov $0x1;
	v53, _, _ =	vpop (xrf2);
	v1 =	vbroadcast v52, $0xF  }
0x79: {  	vm9 =	vcmask $0x320;
	v54, _, _ =	vpop (xrf2);
	v2 =	vbroadcast v53, $0xF;
	v0 =	vnsel vm0, $0x0, v0  }
0x7a: {  	vm10 =	vcmask $0x720;
	v56 =	vbroadcast v54, $0xF;
	v55, _, _ =	vpop (xrf2);
	v0 =	vsel vm9, v0, v1  }
0x7b: {  	vm11 =	vcmask $0xB20;
	v58 =	vbroadcast v55, $0xF;
	v0 =	vsel vm10, v0, v2;
	v57, _, _ =	vpop (xrf2)  }
0x7c: {  	vm12 =	vcmask $0xF20;
	v0 =	vsel vm11, v0, v56;
	v60 =	vbroadcast v57, $0xF;
	v59, _, _ =	vpop (xrf2)  }
0x7d: {  	vm13 =	vcmask $0x1320;
	v0 =	vsel vm12, v0, v58;
	v61 =	vbroadcast v59, $0xF;
	v62, _, _ =	vpop (xrf2)  }
0x7e: {  	vm14 =	vcmask $0x1720;
	v0 =	vsel vm13, v0, v60;
	v63 =	vbroadcast v62, $0xF  }
0x7f: {  	vm15 =	vcmask $0x1B20;
	v0 =	vsel vm14, v0, v61  }
0x80: {  	v0 =	vsel vm15, v0, v63  }
0x81: {  	s3 =	sadd.s32 s3, s1;
	s30 =	simm.s32 $0x580;
	s31 =	simm.s32 $0x3;
	[tilespmem:$0x580] =	vst v0  }
0x82: {  	[hbm4b:s3+s2] =	stream.linear.scatter [tilespmem:s30], [sflag:$0x3], $0x8, $0x38;
	[tilespmem:$0x600] =	vst v63  }
0x83: {  	_ =	swait.ge [sflag:s31], $0x8  }
0x84: {  	[sflag:s31] =	ssyncset.done $0x0  }
0x85: {  	[sflag:s31] =	ssyncadd.s32 $0xFFFFFFF8  }
.LBB2_2:
0x86: {  	_ =	sfence.sel $0x180000  }
0x87: {  	[bflag:$0x0] =	sbarrier.arrive $0xFFFF  }
0x88: {  	p0 =	sne.s32 s1, $0x0;
	_ =	strace $0x90000047  }
0x89: {  	s0 =	sadd.s32 @!p0 $0x100000, s0;
	[bflag:$0x2] =	sbarrier.arrive $0xFFFF  }
0x8a: {  	[sflag:s0] =	ssyncadd.tile.s32 @!p0 $0x1;
	_ =	shalt  }
.Lfunc_end2:
_tile_overlayer_lowered:
.L_overlay_start_2:
0x8b: {  	(tag) =	ssettag $0x2  }
0x8c: {  	s0 =	rddreg [dreg:$0x0];
	s2 =	stileid.u32  }
0x8d: {  	s1 =	rddreg [dreg:$0x1];
	p0 =	sne.s32 s2, $0x0  }
0x8e: {  	s3 =	rddreg [dreg:$0x2];
	[bflag:$0x3] =	sbarrier.arrive $0xFFFF;
	s2 =	simm.s32 @!p0 $0x1C03  }
0x8f: {  	[timem:s3], [sflag:s2] =	dma.local @!p0 [hbm:s0], s1  }
0x90: {  	s0 =	simm.s32 @!p0 $0x3  }
0x91: {  	_ =	swait.ge @!p0 [sflag:s0], s1  }
0x92: {  	s1 =	ssub.s32 @!p0 $0x0, s1;
	[sflag:s0] =	ssyncset.done @!p0 $0x0  }
0x93: {  	[sflag:s0] =	ssyncadd.s32 @!p0 s1  }
0x94: {  	[bflag:$0x3] =	sbarrier.arrive $0xFFFF  }
0x95: {  	_ =	shalt  }

</sc_bundles>
